<compile_context>
chip_gen: v7x
topology: tpu7x:2x2x1
jax: 0.10.2.dev20260603
libtpu: 0.0.44.dev20260713+nightly
codegen_flags: <defaults>
</compile_context>

<pallas_src>
import functools

import jax
import jax.numpy as jnp
from jax import lax
from jax.experimental import pallas as pl
from jax.experimental.pallas import tpu as pltpu
from jax.experimental.pallas import tpu_sc as plsc

B, N, D = 4, 8192, 1024
N_CHUNK = 1024
W_PER_ROW = 8
OUT_K = D
ROW_OUT = 2048


_NBLK = 2048


def _fused_body(x_ref, rt_ref, logk_ref, t_ref, s_buf):
    b = pl.program_id(0)
    c = pl.program_id(1)
    s_buf[b, pl.ds(c * _NBLK, _NBLK)] = jnp.dot(
        x_ref[0], rt_ref[0], preferred_element_type=jnp.float32)

    @pl.when(jnp.logical_and(b == B - 1, c == N // _NBLK - 1))
    def _():
        s = s_buf[...]
        logk = logk_ref[0, 0]
        smax = jnp.max(s, axis=-1, keepdims=True)
        a = jnp.full((B, 1), logk - jnp.log(jnp.float32(N)), jnp.float32)

        def it(_, a):
            nega = -a
            mx = jnp.minimum(smax, nega)
            z = jnp.sum(jnp.exp(jnp.minimum(s, nega) - mx),
                        axis=-1, keepdims=True)
            return logk - (mx + jnp.log(z))

        a = lax.fori_loop(0, 49, it, a)
        t_ref[...] = s + a


def _matvec_descent(x, rt, logk):
    return pl.pallas_call(
        _fused_body,
        grid=(B, N // _NBLK),
        in_specs=[
            pl.BlockSpec((1, _NBLK, D), lambda b, c: (b, c, 0)),
            pl.BlockSpec((1, D), lambda b, c: (0, 0)),
            pl.BlockSpec(memory_space=pltpu.SMEM),
        ],
        out_specs=pl.BlockSpec((B, N), lambda b, c: (0, 0)),
        out_shape=jax.ShapeDtypeStruct((B, N), jnp.float32),
        scratch_shapes=[pltpu.VMEM((B, N), jnp.float32)],
    )(x, rt, logk)


def _select_body(t_hbm, idx_hbm, ones_hbm,
                 tbuf, posbuf, valbuf, zbuf, onesbuf, cnt_w, cnts_all,
                 shared_cnt, shared_out):
    c = lax.axis_index("c")
    s_id = lax.axis_index("s")
    row_in_core = s_id // W_PER_ROW
    chunk = s_id % W_PER_ROW
    row = 2 * c + row_in_core
    lanes = lax.iota(jnp.int32, 16)

    pltpu.sync_copy(
        t_hbm.at[row, pl.ds(chunk * N_CHUNK, N_CHUNK)], tbuf)

    @pl.when(chunk == 0)
    def _():
        def zfill(v, _):
            zbuf[pl.ds(v * 16, 16)] = jnp.zeros((16,), jnp.int32)
            return 0
        lax.fori_loop(0, N_CHUNK // 16, zfill, 0)
        pltpu.sync_copy(zbuf, shared_out.at[pl.ds(row_in_core * ROW_OUT, N_CHUNK)])
        pltpu.sync_copy(zbuf, shared_out.at[pl.ds(row_in_core * ROW_OUT + N_CHUNK, N_CHUNK)])

    def count_body(v, cnt):
        tv = tbuf[pl.ds(v * 16, 16)]
        return cnt + jnp.sum((tv >= 0.0).astype(jnp.int32))

    cnt = lax.fori_loop(0, N_CHUNK // 16, count_body, jnp.int32(0))
    cnt_w[...] = jnp.full((16,), cnt, jnp.int32)
    pltpu.sync_copy(cnt_w, shared_cnt.at[pl.ds(s_id * 16, 16)])
    plsc.subcore_barrier()

    pltpu.sync_copy(shared_cnt, cnts_all)
    b0 = jnp.int32(0)
    b1 = jnp.int32(0)
    for j in range(W_PER_ROW):
        cj0 = jnp.max(cnts_all[pl.ds(j * 16, 16)])
        cj1 = jnp.max(cnts_all[pl.ds((W_PER_ROW + j) * 16, 16)])
        keep = jnp.int32(j) < chunk
        b0 = b0 + jnp.where(keep, cj0, 0)
        b1 = b1 + jnp.where(keep, cj1, 0)
    base = jnp.where(row_in_core == 0, b0, b1)

    def pos_body(v, run):
        tv = tbuf[pl.ds(v * 16, 16)]
        mask = tv >= 0.0
        mi = mask.astype(jnp.int32)
        incl = plsc.cumsum(mi)
        pos = base + run + incl - 1
        valid = mask & (pos < OUT_K)
        trash = OUT_K + (v % 16) * 16 + lanes
        posv = jnp.where(valid, pos, trash) + row_in_core * ROW_OUT
        posbuf[pl.ds(v * 16, 16)] = posv
        valbuf[pl.ds(v * 16, 16)] = chunk * N_CHUNK + v * 16 + lanes
        return run + jnp.sum(mi)

    lax.fori_loop(0, N_CHUNK // 16, pos_body, jnp.int32(0))
    pltpu.sync_copy(valbuf, shared_out.at[posbuf])
    plsc.subcore_barrier()

    @pl.when(chunk == 0)
    def _():
        pltpu.sync_copy(
            shared_out.at[pl.ds(row_in_core * ROW_OUT, OUT_K)],
            idx_hbm.at[row, pl.ds(0, OUT_K)])

        def onefill(v, _):
            onesbuf[pl.ds(v * 16, 16)] = jnp.ones((16,), jnp.float32)
            return 0
        lax.fori_loop(0, OUT_K // 16, onefill, 0)
        pltpu.sync_copy(onesbuf, ones_hbm.at[row, pl.ds(0, OUT_K)])


@functools.partial(jax.jit, static_argnums=())
def _select(t):
    mesh = plsc.VectorSubcoreMesh(core_axis_name="c", subcore_axis_name="s")
    fn = pl.kernel(
        _select_body,
        out_type=[
            jax.ShapeDtypeStruct((B, OUT_K), jnp.int32),
            jax.ShapeDtypeStruct((B, OUT_K), jnp.float32),
        ],
        mesh=mesh,
        compiler_params=pltpu.CompilerParams(needs_layout_passes=False),
        scratch_types=[
            pltpu.VMEM((N_CHUNK,), jnp.float32),
            pltpu.VMEM((N_CHUNK,), jnp.int32),
            pltpu.VMEM((N_CHUNK,), jnp.int32),
            pltpu.VMEM((N_CHUNK,), jnp.int32),
            pltpu.VMEM((OUT_K,), jnp.float32),
            pltpu.VMEM((16,), jnp.int32),
            pltpu.VMEM((256,), jnp.int32),
            pltpu.VMEM_SHARED((256,), jnp.int32),
            pltpu.VMEM_SHARED((2 * ROW_OUT,), jnp.int32),
        ],
    )
    return fn(t)


def kernel(x, routing_token, num_tokens):
    b, n, d = x.shape
    effective_k = jnp.minimum(num_tokens * 9.0 / 8.0, float(n))
    logk = jnp.log(effective_k.astype(jnp.float32)).reshape(1, 1)
    t = _matvec_descent(x, routing_token, logk)
    idx, ones = _select(t)
    return ones, idx

# --- scband reference (transcript-rebuilt; emitter-appended) ---
"""Pipeline reference for scband-coordinate-descent-router-46574625358485 (READ-ONLY COPY).

The authoritative reference and input builder live on the scoring server;
editing this copy changes nothing except your own understanding.
"""

import jax, jax.numpy as jnp
import numpy as np


def coor_descent(s, n_iters, k, eps):
    # faithful port of colt5_attention.coor_descent (eps_decay=1, no mask)
    logk = jnp.log(jnp.asarray(k, dtype=s.dtype))
    a = jnp.zeros_like(s[..., :1])
    b = -s
    for _ in range(n_iters):
        sb = (s + b) / eps
        a = eps * (logk - jax.scipy.special.logsumexp(sb, axis=-1, keepdims=True))
        b = -jax.nn.relu(s + a)
    scores = jnp.exp((s + a + b) / eps)
    return scores


def setup_inputs(seed: int = 0):
    key = jax.random.key(seed)
    k1, k2 = jax.random.split(key)
    x = jax.random.normal(k1, (4, 8192, 1024), dtype=jnp.float32)
    # learned parameter: routing_token [num_routing_tokens, dim]
    routing_token = jax.random.normal(k2, (1, 1024), dtype=jnp.float32)
    return {"x": x, "routing_token": routing_token, "num_tokens": 1024}


def reference(x, routing_token, num_tokens):
    b, n, d = x.shape
    r = routing_token.shape[0]
    # s = einsum('b n d, r d -> b r n')
    s = jnp.einsum('bnd,rd->brn', x, routing_token)
    # pack '* n'
    s = s.reshape(b * r, n)
    effective_k = jnp.minimum(num_tokens * 9.0 / 8.0, float(n))  # fetch_k_ratio = 9/8
    scores = coor_descent(s, 50, effective_k, 1.0)
    num_tokens_static = d  # setup_inputs always passes num_tokens == x.shape[2]
    selected_scores, selected_indices = jax.lax.top_k(scores, num_tokens_static)
    # straight-through: value 1.0 forward, gradient of selected_scores backward
    selected_scores = selected_scores + jax.lax.stop_gradient(1.0 - selected_scores)
    # is_one_routing_token == True -> no unpack
    return selected_scores, selected_indices

if __name__ == "__main__":
    import jax
    _d = setup_inputs()
    print(jax.jit(kernel)(*tuple(_d.values())))

</pallas_src>

<mosaic_0001>
#map = affine_map<(d0, d1) -> (0, 0)>
module attributes {stable_mosaic.version = 14 : i64} {
  func.func @_select_body(%arg0: i32, %arg1: i32, %arg2: memref<4x8192xf32, #tpu.memory_space<hbm>>, %arg3: memref<4x1024xi32, #tpu.memory_space<hbm>>, %arg4: memref<4x1024xf32, #tpu.memory_space<hbm>>, %arg5: memref<1024xf32, #tpu.memory_space<vmem>>, %arg6: memref<1024xi32, #tpu.memory_space<vmem>>, %arg7: memref<1024xi32, #tpu.memory_space<vmem>>, %arg8: memref<1024xi32, #tpu.memory_space<vmem>>, %arg9: memref<1024xf32, #tpu.memory_space<vmem>>, %arg10: memref<16xi32, #tpu.memory_space<vmem>>, %arg11: memref<256xi32, #tpu.memory_space<vmem>>, %arg12: memref<256xi32, #tpu.memory_space<vmem_shared>>, %arg13: memref<4096xi32, #tpu.memory_space<vmem_shared>>) attributes {dimension_semantics = [#tpu.dimension_semantics<core_parallel>, #tpu.dimension_semantics<subcore_parallel>], iteration_bounds = array<i64: 2, 16>, scalar_prefetch = 0 : i64, scratch_operands = 9 : i64, tpu.core_type = #tpu.core_type<sc_vector_subcore>, window_params = [{transform_indices = #map}, {transform_indices = #map}, {transform_indices = #map}]} {
    %jit3A = arith.constant 8 : i32
    %div3A = arith.divsi %arg1, %jit3A : i32
    %sign3A = arith.constant 0 : i32
    %sign3A_0 = arith.cmpi sgt, %arg1, %sign3A : i32
    %sign3A_1 = arith.extui %sign3A_0 : i1 to i32
    %sign3A_2 = arith.constant 0 : i32
    %sign3A_3 = arith.cmpi slt, %arg1, %sign3A_2 : i32
    %sign3A_4 = arith.extui %sign3A_3 : i1 to i32
    %sign3A_5 = arith.subi %sign3A_1, %sign3A_4 : i32
    %sign3A_6 = arith.constant 0 : i32
    %sign3A_7 = arith.cmpi sgt, %jit3A, %sign3A_6 : i32
    %sign3A_8 = arith.extui %sign3A_7 : i1 to i32
    %sign3A_9 = arith.constant 0 : i32
    %sign3A_10 = arith.cmpi slt, %jit3A, %sign3A_9 : i32
    %sign3A_11 = arith.extui %sign3A_10 : i1 to i32
    %sign3A_12 = arith.subi %sign3A_8, %sign3A_11 : i32
    %ne3A = arith.cmpi ne, %sign3A_5, %sign3A_12 : i32
    %rem3A = arith.remsi %arg1, %jit3A : i32
    %ne3A_13 = arith.constant 0 : i32
    %ne3A_14 = arith.cmpi ne, %rem3A, %ne3A_13 : i32
    %and3A = arith.andi %ne3A, %ne3A_14 : i1
    %sub3A = arith.constant 1 : i32
    %sub3A_15 = arith.subi %div3A, %sub3A : i32
    %select_n3A = arith.select %and3A, %sub3A_15, %div3A : i32
    %jit3A_16 = arith.constant 8 : i32
    %eq3A = arith.constant 0 : i32
    %eq3A_17 = arith.cmpi eq, %jit3A_16, %eq3A : i32
    %jit3A_18 = arith.constant 1 : i32
    %select_n3A_19 = arith.select %eq3A_17, %jit3A_18, %jit3A_16 : i32
    %rem3A_20 = arith.remsi %arg1, %select_n3A_19 : i32
    %ne3A_21 = arith.constant 0 : i32
    %ne3A_22 = arith.cmpi ne, %rem3A_20, %ne3A_21 : i32
    %lt3A = arith.constant 0 : i32
    %lt3A_23 = arith.cmpi slt, %rem3A_20, %lt3A : i32
    %lt3A_24 = arith.constant 0 : i32
    %lt3A_25 = arith.cmpi slt, %select_n3A_19, %lt3A_24 : i32
    %ne3A_26 = arith.xori %lt3A_23, %lt3A_25 : i1
    %and3A_27 = arith.andi %ne3A_26, %ne3A_22 : i1
    %add3A = arith.addi %rem3A_20, %select_n3A_19 : i32
    %select_n3A_28 = arith.select %and3A_27, %add3A, %rem3A_20 : i32
    %mul3A = arith.constant 2 : i32
    %mul3A_29 = arith.muli %mul3A, %arg0 : i32
    %add3A_30 = arith.addi %mul3A_29, %select_n3A : i32
    %iota3A = tpu.iota {dimensions = array<i32: 0>} : vector<16xi32>
    %mul3A_31 = arith.constant 1024 : i32
    %mul3A_32 = arith.muli %select_n3A_28, %mul3A_31 : i32
    "tpu.region"() ({
      %run_scoped3A = tpu.sem_alloc : memref<!tpu.dma_semaphore, #tpu.memory_space<semaphore_mem>>
      %dma_start3A = tpu.memref_slice %arg2[%add3A_30, %mul3A_32] : memref<4x8192xf32, #tpu.memory_space<hbm>> -> memref<1x1024xf32, #tpu.memory_space<hbm>>
      %dma_start3A_285 = tpu.memref_squeeze %dma_start3A : memref<1x1024xf32, #tpu.memory_space<hbm>> -> memref<1024xf32, #tpu.memory_space<hbm>>
      %dma_start3A_286 = tpu.memref_slice %arg2[%add3A_30, %mul3A_32] : memref<4x8192xf32, #tpu.memory_space<hbm>> -> memref<1x1024xf32, #tpu.memory_space<hbm>>
      %dma_start3A_287 = tpu.memref_squeeze %dma_start3A_286 : memref<1x1024xf32, #tpu.memory_space<hbm>> -> memref<1024xf32, #tpu.memory_space<hbm>>
      tpu.enqueue_dma source(%dma_start3A_287 : memref<1024xf32, #tpu.memory_space<hbm>>) target(%arg5 : memref<1024xf32, #tpu.memory_space<vmem>>) target_semaphore(%run_scoped3A : memref<!tpu.dma_semaphore, #tpu.memory_space<semaphore_mem>>)
      %dma_wait3A = tpu.memref_slice %arg2[%add3A_30, %mul3A_32] : memref<4x8192xf32, #tpu.memory_space<hbm>> -> memref<1x1024xf32, #tpu.memory_space<hbm>>
      %dma_wait3A_288 = tpu.memref_squeeze %dma_wait3A : memref<1x1024xf32, #tpu.memory_space<hbm>> -> memref<1024xf32, #tpu.memory_space<hbm>>
      %dma_wait3A_289 = tpu.memref_slice %arg2[%add3A_30, %mul3A_32] : memref<4x8192xf32, #tpu.memory_space<hbm>> -> memref<1x1024xf32, #tpu.memory_space<hbm>>
      %dma_wait3A_290 = tpu.memref_squeeze %dma_wait3A_289 : memref<1x1024xf32, #tpu.memory_space<hbm>> -> memref<1024xf32, #tpu.memory_space<hbm>>
      tpu.wait_dma2 semaphore(%run_scoped3A : memref<!tpu.dma_semaphore, #tpu.memory_space<semaphore_mem>>) src(%dma_wait3A_290 : memref<1024xf32, #tpu.memory_space<hbm>>) dst(%arg5 : memref<1024xf32, #tpu.memory_space<vmem>>)
      tpu.yield
    }) : () -> ()
    %eq3A_33 = arith.constant 0 : i32
    %eq3A_34 = arith.cmpi eq, %select_n3A_28, %eq3A_33 : i32
    %convert_element_type3A = arith.extui %eq3A_34 : i1 to i32
    %cond3A = arith.constant 0 : i32
    %cond3A_35 = arith.cmpi ne, %convert_element_type3A, %cond3A : i32
    scf.if %cond3A_35 {
      %scan3A_285 = arith.constant 0 : i32
      %scan3A_286 = arith.constant 0 : i32
      %scan3A_287 = arith.constant 64 : i32
      %scan3A_288 = arith.addi %scan3A_286, %scan3A_287 : i32
      %scan3A_289 = arith.constant 1 : i32
      %scan3A_290 = scf.for %scan3A_298 = %scan3A_286 to %scan3A_288 step %scan3A_289 iter_args(%scan3A_299 = %scan3A_285) -> (i32)  : i32 {
        %broadcast_in_dim3A_300 = arith.constant 0 : i32
        %broadcast_in_dim3A_301 = vector.broadcast %broadcast_in_dim3A_300 : i32 to vector<16xi32>
        %mul3A_302 = arith.constant 16 : i32
        %mul3A_303 = arith.muli %scan3A_298, %mul3A_302 : i32
        %swap3A_304 = arith.index_cast %mul3A_303 : i32 to index
        %swap3A_305 = tpu.vector_load %arg8[%swap3A_304] {strides = array<i32>} : memref<1024xi32, #tpu.memory_space<vmem>>, vector<16xi32>,
        tpu.vector_store %arg8[%swap3A_304], %broadcast_in_dim3A_301 {strides = array<i32>} : memref<1024xi32, #tpu.memory_space<vmem>>, vector<16xi32>,
        %scan3A_306 = arith.constant 0 : i32
        scf.yield %scan3A_306 : i32
      }
      %scan3A_291 = arith.constant 64 : i32
      %mul3A_292 = arith.constant 2048 : i32
      %mul3A_293 = arith.muli %select_n3A, %mul3A_292 : i32
      "tpu.region"() ({
        %run_scoped3A = tpu.sem_alloc : memref<!tpu.dma_semaphore, #tpu.memory_space<semaphore_mem>>
        %dma_start3A = tpu.memref_slice %arg13[%mul3A_293] : memref<4096xi32, #tpu.memory_space<vmem_shared>> -> memref<1024xi32, #tpu.memory_space<vmem_shared>>
        %dma_start3A_298 = tpu.memref_slice %arg13[%mul3A_293] : memref<4096xi32, #tpu.memory_space<vmem_shared>> -> memref<1024xi32, #tpu.memory_space<vmem_shared>>
        tpu.enqueue_dma source(%arg8 : memref<1024xi32, #tpu.memory_space<vmem>>) target(%dma_start3A_298 : memref<1024xi32, #tpu.memory_space<vmem_shared>>) target_semaphore(%run_scoped3A : memref<!tpu.dma_semaphore, #tpu.memory_space<semaphore_mem>>)
        %dma_wait3A = tpu.memref_slice %arg13[%mul3A_293] : memref<4096xi32, #tpu.memory_space<vmem_shared>> -> memref<1024xi32, #tpu.memory_space<vmem_shared>>
        %dma_wait3A_299 = tpu.memref_slice %arg13[%mul3A_293] : memref<4096xi32, #tpu.memory_space<vmem_shared>> -> memref<1024xi32, #tpu.memory_space<vmem_shared>>
        tpu.wait_dma2 semaphore(%run_scoped3A : memref<!tpu.dma_semaphore, #tpu.memory_space<semaphore_mem>>) src(%arg8 : memref<1024xi32, #tpu.memory_space<vmem>>) dst(%dma_wait3A_299 : memref<1024xi32, #tpu.memory_space<vmem_shared>>)
        tpu.yield
      }) : () -> ()
      %mul3A_294 = arith.constant 2048 : i32
      %mul3A_295 = arith.muli %select_n3A, %mul3A_294 : i32
      %add3A_296 = arith.constant 1024 : i32
      %add3A_297 = arith.addi %mul3A_295, %add3A_296 : i32
      "tpu.region"() ({
        %run_scoped3A = tpu.sem_alloc : memref<!tpu.dma_semaphore, #tpu.memory_space<semaphore_mem>>
        %dma_start3A = tpu.memref_slice %arg13[%add3A_297] : memref<4096xi32, #tpu.memory_space<vmem_shared>> -> memref<1024xi32, #tpu.memory_space<vmem_shared>>
        %dma_start3A_298 = tpu.memref_slice %arg13[%add3A_297] : memref<4096xi32, #tpu.memory_space<vmem_shared>> -> memref<1024xi32, #tpu.memory_space<vmem_shared>>
        tpu.enqueue_dma source(%arg8 : memref<1024xi32, #tpu.memory_space<vmem>>) target(%dma_start3A_298 : memref<1024xi32, #tpu.memory_space<vmem_shared>>) target_semaphore(%run_scoped3A : memref<!tpu.dma_semaphore, #tpu.memory_space<semaphore_mem>>)
        %dma_wait3A = tpu.memref_slice %arg13[%add3A_297] : memref<4096xi32, #tpu.memory_space<vmem_shared>> -> memref<1024xi32, #tpu.memory_space<vmem_shared>>
        %dma_wait3A_299 = tpu.memref_slice %arg13[%add3A_297] : memref<4096xi32, #tpu.memory_space<vmem_shared>> -> memref<1024xi32, #tpu.memory_space<vmem_shared>>
        tpu.wait_dma2 semaphore(%run_scoped3A : memref<!tpu.dma_semaphore, #tpu.memory_space<semaphore_mem>>) src(%arg8 : memref<1024xi32, #tpu.memory_space<vmem>>) dst(%dma_wait3A_299 : memref<1024xi32, #tpu.memory_space<vmem_shared>>)
        tpu.yield
      }) : () -> ()
    } else {
    }
    %scan3A = arith.constant 0 : i32
    %scan3A_36 = arith.constant 0 : i32
    %scan3A_37 = arith.constant 64 : i32
    %scan3A_38 = arith.addi %scan3A_36, %scan3A_37 : i32
    %scan3A_39 = arith.constant 1 : i32
    %scan3A_40 = scf.for %scan3A_285 = %scan3A_36 to %scan3A_38 step %scan3A_39 iter_args(%scan3A_286 = %scan3A) -> (i32)  : i32 {
      %mul3A_287 = arith.constant 16 : i32
      %mul3A_288 = arith.muli %scan3A_285, %mul3A_287 : i32
      %get3A_289 = arith.index_cast %mul3A_288 : i32 to index
      %get3A_290 = tpu.vector_load %arg5[%get3A_289] {strides = array<i32>} : memref<1024xf32, #tpu.memory_space<vmem>>, vector<16xf32>,
      %ge3A = arith.constant 0.000000e+00 : f32
      %ge3A_291 = vector.broadcast %ge3A : f32 to vector<16xf32>
      %ge3A_292 = arith.cmpf oge, %get3A_290, %ge3A_291 : vector<16xf32>
      %convert_element_type3A_293 = arith.extui %ge3A_292 : vector<16xi1> to vector<16xi32>
      %reduce_sum3A = arith.constant true
      %reduce_sum3A_294 = vector.broadcast %reduce_sum3A : i1 to vector<16xi1>
      %reduce_sum3A_295 = tpu.scan <sum>, %convert_element_type3A_293 masked %reduce_sum3A_294 : vector<16xi32>, vector<16xi1> -> vector<16xi32>
      %reduce_sum3A_296 = vector.extract %reduce_sum3A_295[15] : i32 from vector<16xi32>
      %add3A_297 = arith.addi %scan3A_286, %reduce_sum3A_296 : i32
      scf.yield %add3A_297 : i32
    }
    %scan3A_41 = arith.constant 64 : i32
    %broadcast_in_dim3A = vector.broadcast %scan3A_40 : i32 to vector<16xi32>
    %swap3A = arith.constant 0 : index
    %swap3A_42 = tpu.vector_load %arg10[%swap3A] {strides = array<i32>} : memref<16xi32, #tpu.memory_space<vmem>>, vector<16xi32>,
    tpu.vector_store %arg10[%swap3A], %broadcast_in_dim3A {strides = array<i32>} : memref<16xi32, #tpu.memory_space<vmem>>, vector<16xi32>,
    %mul3A_43 = arith.constant 16 : i32
    %mul3A_44 = arith.muli %arg1, %mul3A_43 : i32
    "tpu.region"() ({
      %run_scoped3A = tpu.sem_alloc : memref<!tpu.dma_semaphore, #tpu.memory_space<semaphore_mem>>
      %dma_start3A = tpu.memref_slice %arg12[%mul3A_44] : memref<256xi32, #tpu.memory_space<vmem_shared>> -> memref<16xi32, #tpu.memory_space<vmem_shared>>
      %dma_start3A_285 = tpu.memref_slice %arg12[%mul3A_44] : memref<256xi32, #tpu.memory_space<vmem_shared>> -> memref<16xi32, #tpu.memory_space<vmem_shared>>
      tpu.enqueue_dma source(%arg10 : memref<16xi32, #tpu.memory_space<vmem>>) target(%dma_start3A_285 : memref<16xi32, #tpu.memory_space<vmem_shared>>) target_semaphore(%run_scoped3A : memref<!tpu.dma_semaphore, #tpu.memory_space<semaphore_mem>>)
      %dma_wait3A = tpu.memref_slice %arg12[%mul3A_44] : memref<256xi32, #tpu.memory_space<vmem_shared>> -> memref<16xi32, #tpu.memory_space<vmem_shared>>
      %dma_wait3A_286 = tpu.memref_slice %arg12[%mul3A_44] : memref<256xi32, #tpu.memory_space<vmem_shared>> -> memref<16xi32, #tpu.memory_space<vmem_shared>>
      tpu.wait_dma2 semaphore(%run_scoped3A : memref<!tpu.dma_semaphore, #tpu.memory_space<semaphore_mem>>) src(%arg10 : memref<16xi32, #tpu.memory_space<vmem>>) dst(%dma_wait3A_286 : memref<16xi32, #tpu.memory_space<vmem_shared>>)
      tpu.yield
    }) : () -> ()
    %barrier3A = arith.constant 0 : index
    tpu.barrier barrier_id(%barrier3A)
    "tpu.region"() ({
      %run_scoped3A = tpu.sem_alloc : memref<!tpu.dma_semaphore, #tpu.memory_space<semaphore_mem>>
      tpu.enqueue_dma source(%arg12 : memref<256xi32, #tpu.memory_space<vmem_shared>>) target(%arg11 : memref<256xi32, #tpu.memory_space<vmem>>) target_semaphore(%run_scoped3A : memref<!tpu.dma_semaphore, #tpu.memory_space<semaphore_mem>>)
      tpu.wait_dma2 semaphore(%run_scoped3A : memref<!tpu.dma_semaphore, #tpu.memory_space<semaphore_mem>>) src(%arg12 : memref<256xi32, #tpu.memory_space<vmem_shared>>) dst(%arg11 : memref<256xi32, #tpu.memory_space<vmem>>)
      tpu.yield
    }) : () -> ()
    %get3A = arith.constant 0 : index
    %get3A_45 = tpu.vector_load %arg11[%get3A] {strides = array<i32>} : memref<256xi32, #tpu.memory_space<vmem>>, vector<16xi32>,
    %reduce_max3A = arith.constant true
    %reduce_max3A_46 = vector.broadcast %reduce_max3A : i1 to vector<16xi1>
    %reduce_max3A_47 = arith.constant -2147483648 : i32
    %reduce_max3A_48 = vector.broadcast %reduce_max3A_47 : i32 to vector<16xi32>
    %reduce_max3A_49 = arith.xori %get3A_45, %reduce_max3A_48 : vector<16xi32>
    %reduce_max3A_50 = tpu.scan <max>, %reduce_max3A_49 masked %reduce_max3A_46 : vector<16xi32>, vector<16xi1> -> vector<16xi32>
    %reduce_max3A_51 = arith.xori %reduce_max3A_50, %reduce_max3A_48 : vector<16xi32>
    %reduce_max3A_52 = vector.extract %reduce_max3A_51[15] : i32 from vector<16xi32>
    %get3A_53 = arith.constant 128 : index
    %get3A_54 = tpu.vector_load %arg11[%get3A_53] {strides = array<i32>} : memref<256xi32, #tpu.memory_space<vmem>>, vector<16xi32>,
    %reduce_max3A_55 = arith.constant true
    %reduce_max3A_56 = vector.broadcast %reduce_max3A_55 : i1 to vector<16xi1>
    %reduce_max3A_57 = arith.constant -2147483648 : i32
    %reduce_max3A_58 = vector.broadcast %reduce_max3A_57 : i32 to vector<16xi32>
    %reduce_max3A_59 = arith.xori %get3A_54, %reduce_max3A_58 : vector<16xi32>
    %reduce_max3A_60 = tpu.scan <max>, %reduce_max3A_59 masked %reduce_max3A_56 : vector<16xi32>, vector<16xi1> -> vector<16xi32>
    %reduce_max3A_61 = arith.xori %reduce_max3A_60, %reduce_max3A_58 : vector<16xi32>
    %reduce_max3A_62 = vector.extract %reduce_max3A_61[15] : i32 from vector<16xi32>
    %lt3A_63 = arith.constant 0 : i32
    %lt3A_64 = arith.cmpi slt, %lt3A_63, %select_n3A_28 : i32
    %jit3A_65 = arith.constant 0 : i32
    %select_n3A_66 = arith.select %lt3A_64, %reduce_max3A_52, %jit3A_65 : i32
    %add3A_67 = arith.constant 0 : i32
    %add3A_68 = arith.addi %add3A_67, %select_n3A_66 : i32
    %jit3A_69 = arith.constant 0 : i32
    %select_n3A_70 = arith.select %lt3A_64, %reduce_max3A_62, %jit3A_69 : i32
    %add3A_71 = arith.constant 0 : i32
    %add3A_72 = arith.addi %add3A_71, %select_n3A_70 : i32
    %get3A_73 = arith.constant 16 : index
    %get3A_74 = tpu.vector_load %arg11[%get3A_73] {strides = array<i32>} : memref<256xi32, #tpu.memory_space<vmem>>, vector<16xi32>,
    %reduce_max3A_75 = arith.constant true
    %reduce_max3A_76 = vector.broadcast %reduce_max3A_75 : i1 to vector<16xi1>
    %reduce_max3A_77 = arith.constant -2147483648 : i32
    %reduce_max3A_78 = vector.broadcast %reduce_max3A_77 : i32 to vector<16xi32>
    %reduce_max3A_79 = arith.xori %get3A_74, %reduce_max3A_78 : vector<16xi32>
    %reduce_max3A_80 = tpu.scan <max>, %reduce_max3A_79 masked %reduce_max3A_76 : vector<16xi32>, vector<16xi1> -> vector<16xi32>
    %reduce_max3A_81 = arith.xori %reduce_max3A_80, %reduce_max3A_78 : vector<16xi32>
    %reduce_max3A_82 = vector.extract %reduce_max3A_81[15] : i32 from vector<16xi32>
    %get3A_83 = arith.constant 144 : index
    %get3A_84 = tpu.vector_load %arg11[%get3A_83] {strides = array<i32>} : memref<256xi32, #tpu.memory_space<vmem>>, vector<16xi32>,
    %reduce_max3A_85 = arith.constant true
    %reduce_max3A_86 = vector.broadcast %reduce_max3A_85 : i1 to vector<16xi1>
    %reduce_max3A_87 = arith.constant -2147483648 : i32
    %reduce_max3A_88 = vector.broadcast %reduce_max3A_87 : i32 to vector<16xi32>
    %reduce_max3A_89 = arith.xori %get3A_84, %reduce_max3A_88 : vector<16xi32>
    %reduce_max3A_90 = tpu.scan <max>, %reduce_max3A_89 masked %reduce_max3A_86 : vector<16xi32>, vector<16xi1> -> vector<16xi32>
    %reduce_max3A_91 = arith.xori %reduce_max3A_90, %reduce_max3A_88 : vector<16xi32>
    %reduce_max3A_92 = vector.extract %reduce_max3A_91[15] : i32 from vector<16xi32>
    %lt3A_93 = arith.constant 1 : i32
    %lt3A_94 = arith.cmpi slt, %lt3A_93, %select_n3A_28 : i32
    %jit3A_95 = arith.constant 0 : i32
    %select_n3A_96 = arith.select %lt3A_94, %reduce_max3A_82, %jit3A_95 : i32
    %add3A_97 = arith.addi %add3A_68, %select_n3A_96 : i32
    %jit3A_98 = arith.constant 0 : i32
    %select_n3A_99 = arith.select %lt3A_94, %reduce_max3A_92, %jit3A_98 : i32
    %add3A_100 = arith.addi %add3A_72, %select_n3A_99 : i32
    %get3A_101 = arith.constant 32 : index
    %get3A_102 = tpu.vector_load %arg11[%get3A_101] {strides = array<i32>} : memref<256xi32, #tpu.memory_space<vmem>>, vector<16xi32>,
    %reduce_max3A_103 = arith.constant true
    %reduce_max3A_104 = vector.broadcast %reduce_max3A_103 : i1 to vector<16xi1>
    %reduce_max3A_105 = arith.constant -2147483648 : i32
    %reduce_max3A_106 = vector.broadcast %reduce_max3A_105 : i32 to vector<16xi32>
    %reduce_max3A_107 = arith.xori %get3A_102, %reduce_max3A_106 : vector<16xi32>
    %reduce_max3A_108 = tpu.scan <max>, %reduce_max3A_107 masked %reduce_max3A_104 : vector<16xi32>, vector<16xi1> -> vector<16xi32>
    %reduce_max3A_109 = arith.xori %reduce_max3A_108, %reduce_max3A_106 : vector<16xi32>
    %reduce_max3A_110 = vector.extract %reduce_max3A_109[15] : i32 from vector<16xi32>
    %get3A_111 = arith.constant 160 : index
    %get3A_112 = tpu.vector_load %arg11[%get3A_111] {strides = array<i32>} : memref<256xi32, #tpu.memory_space<vmem>>, vector<16xi32>,
    %reduce_max3A_113 = arith.constant true
    %reduce_max3A_114 = vector.broadcast %reduce_max3A_113 : i1 to vector<16xi1>
    %reduce_max3A_115 = arith.constant -2147483648 : i32
    %reduce_max3A_116 = vector.broadcast %reduce_max3A_115 : i32 to vector<16xi32>
    %reduce_max3A_117 = arith.xori %get3A_112, %reduce_max3A_116 : vector<16xi32>
    %reduce_max3A_118 = tpu.scan <max>, %reduce_max3A_117 masked %reduce_max3A_114 : vector<16xi32>, vector<16xi1> -> vector<16xi32>
    %reduce_max3A_119 = arith.xori %reduce_max3A_118, %reduce_max3A_116 : vector<16xi32>
    %reduce_max3A_120 = vector.extract %reduce_max3A_119[15] : i32 from vector<16xi32>
    %lt3A_121 = arith.constant 2 : i32
    %lt3A_122 = arith.cmpi slt, %lt3A_121, %select_n3A_28 : i32
    %jit3A_123 = arith.constant 0 : i32
    %select_n3A_124 = arith.select %lt3A_122, %reduce_max3A_110, %jit3A_123 : i32
    %add3A_125 = arith.addi %add3A_97, %select_n3A_124 : i32
    %jit3A_126 = arith.constant 0 : i32
    %select_n3A_127 = arith.select %lt3A_122, %reduce_max3A_120, %jit3A_126 : i32
    %add3A_128 = arith.addi %add3A_100, %select_n3A_127 : i32
    %get3A_129 = arith.constant 48 : index
    %get3A_130 = tpu.vector_load %arg11[%get3A_129] {strides = array<i32>} : memref<256xi32, #tpu.memory_space<vmem>>, vector<16xi32>,
    %reduce_max3A_131 = arith.constant true
    %reduce_max3A_132 = vector.broadcast %reduce_max3A_131 : i1 to vector<16xi1>
    %reduce_max3A_133 = arith.constant -2147483648 : i32
    %reduce_max3A_134 = vector.broadcast %reduce_max3A_133 : i32 to vector<16xi32>
    %reduce_max3A_135 = arith.xori %get3A_130, %reduce_max3A_134 : vector<16xi32>
    %reduce_max3A_136 = tpu.scan <max>, %reduce_max3A_135 masked %reduce_max3A_132 : vector<16xi32>, vector<16xi1> -> vector<16xi32>
    %reduce_max3A_137 = arith.xori %reduce_max3A_136, %reduce_max3A_134 : vector<16xi32>
    %reduce_max3A_138 = vector.extract %reduce_max3A_137[15] : i32 from vector<16xi32>
    %get3A_139 = arith.constant 176 : index
    %get3A_140 = tpu.vector_load %arg11[%get3A_139] {strides = array<i32>} : memref<256xi32, #tpu.memory_space<vmem>>, vector<16xi32>,
    %reduce_max3A_141 = arith.constant true
    %reduce_max3A_142 = vector.broadcast %reduce_max3A_141 : i1 to vector<16xi1>
    %reduce_max3A_143 = arith.constant -2147483648 : i32
    %reduce_max3A_144 = vector.broadcast %reduce_max3A_143 : i32 to vector<16xi32>
    %reduce_max3A_145 = arith.xori %get3A_140, %reduce_max3A_144 : vector<16xi32>
    %reduce_max3A_146 = tpu.scan <max>, %reduce_max3A_145 masked %reduce_max3A_142 : vector<16xi32>, vector<16xi1> -> vector<16xi32>
    %reduce_max3A_147 = arith.xori %reduce_max3A_146, %reduce_max3A_144 : vector<16xi32>
    %reduce_max3A_148 = vector.extract %reduce_max3A_147[15] : i32 from vector<16xi32>
    %lt3A_149 = arith.constant 3 : i32
    %lt3A_150 = arith.cmpi slt, %lt3A_149, %select_n3A_28 : i32
    %jit3A_151 = arith.constant 0 : i32
    %select_n3A_152 = arith.select %lt3A_150, %reduce_max3A_138, %jit3A_151 : i32
    %add3A_153 = arith.addi %add3A_125, %select_n3A_152 : i32
    %jit3A_154 = arith.constant 0 : i32
    %select_n3A_155 = arith.select %lt3A_150, %reduce_max3A_148, %jit3A_154 : i32
    %add3A_156 = arith.addi %add3A_128, %select_n3A_155 : i32
    %get3A_157 = arith.constant 64 : index
    %get3A_158 = tpu.vector_load %arg11[%get3A_157] {strides = array<i32>} : memref<256xi32, #tpu.memory_space<vmem>>, vector<16xi32>,
    %reduce_max3A_159 = arith.constant true
    %reduce_max3A_160 = vector.broadcast %reduce_max3A_159 : i1 to vector<16xi1>
    %reduce_max3A_161 = arith.constant -2147483648 : i32
    %reduce_max3A_162 = vector.broadcast %reduce_max3A_161 : i32 to vector<16xi32>
    %reduce_max3A_163 = arith.xori %get3A_158, %reduce_max3A_162 : vector<16xi32>
    %reduce_max3A_164 = tpu.scan <max>, %reduce_max3A_163 masked %reduce_max3A_160 : vector<16xi32>, vector<16xi1> -> vector<16xi32>
    %reduce_max3A_165 = arith.xori %reduce_max3A_164, %reduce_max3A_162 : vector<16xi32>
    %reduce_max3A_166 = vector.extract %reduce_max3A_165[15] : i32 from vector<16xi32>
    %get3A_167 = arith.constant 192 : index
    %get3A_168 = tpu.vector_load %arg11[%get3A_167] {strides = array<i32>} : memref<256xi32, #tpu.memory_space<vmem>>, vector<16xi32>,
    %reduce_max3A_169 = arith.constant true
    %reduce_max3A_170 = vector.broadcast %reduce_max3A_169 : i1 to vector<16xi1>
    %reduce_max3A_171 = arith.constant -2147483648 : i32
    %reduce_max3A_172 = vector.broadcast %reduce_max3A_171 : i32 to vector<16xi32>
    %reduce_max3A_173 = arith.xori %get3A_168, %reduce_max3A_172 : vector<16xi32>
    %reduce_max3A_174 = tpu.scan <max>, %reduce_max3A_173 masked %reduce_max3A_170 : vector<16xi32>, vector<16xi1> -> vector<16xi32>
    %reduce_max3A_175 = arith.xori %reduce_max3A_174, %reduce_max3A_172 : vector<16xi32>
    %reduce_max3A_176 = vector.extract %reduce_max3A_175[15] : i32 from vector<16xi32>
    %lt3A_177 = arith.constant 4 : i32
    %lt3A_178 = arith.cmpi slt, %lt3A_177, %select_n3A_28 : i32
    %jit3A_179 = arith.constant 0 : i32
    %select_n3A_180 = arith.select %lt3A_178, %reduce_max3A_166, %jit3A_179 : i32
    %add3A_181 = arith.addi %add3A_153, %select_n3A_180 : i32
    %jit3A_182 = arith.constant 0 : i32
    %select_n3A_183 = arith.select %lt3A_178, %reduce_max3A_176, %jit3A_182 : i32
    %add3A_184 = arith.addi %add3A_156, %select_n3A_183 : i32
    %get3A_185 = arith.constant 80 : index
    %get3A_186 = tpu.vector_load %arg11[%get3A_185] {strides = array<i32>} : memref<256xi32, #tpu.memory_space<vmem>>, vector<16xi32>,
    %reduce_max3A_187 = arith.constant true
    %reduce_max3A_188 = vector.broadcast %reduce_max3A_187 : i1 to vector<16xi1>
    %reduce_max3A_189 = arith.constant -2147483648 : i32
    %reduce_max3A_190 = vector.broadcast %reduce_max3A_189 : i32 to vector<16xi32>
    %reduce_max3A_191 = arith.xori %get3A_186, %reduce_max3A_190 : vector<16xi32>
    %reduce_max3A_192 = tpu.scan <max>, %reduce_max3A_191 masked %reduce_max3A_188 : vector<16xi32>, vector<16xi1> -> vector<16xi32>
    %reduce_max3A_193 = arith.xori %reduce_max3A_192, %reduce_max3A_190 : vector<16xi32>
    %reduce_max3A_194 = vector.extract %reduce_max3A_193[15] : i32 from vector<16xi32>
    %get3A_195 = arith.constant 208 : index
    %get3A_196 = tpu.vector_load %arg11[%get3A_195] {strides = array<i32>} : memref<256xi32, #tpu.memory_space<vmem>>, vector<16xi32>,
    %reduce_max3A_197 = arith.constant true
    %reduce_max3A_198 = vector.broadcast %reduce_max3A_197 : i1 to vector<16xi1>
    %reduce_max3A_199 = arith.constant -2147483648 : i32
    %reduce_max3A_200 = vector.broadcast %reduce_max3A_199 : i32 to vector<16xi32>
    %reduce_max3A_201 = arith.xori %get3A_196, %reduce_max3A_200 : vector<16xi32>
    %reduce_max3A_202 = tpu.scan <max>, %reduce_max3A_201 masked %reduce_max3A_198 : vector<16xi32>, vector<16xi1> -> vector<16xi32>
    %reduce_max3A_203 = arith.xori %reduce_max3A_202, %reduce_max3A_200 : vector<16xi32>
    %reduce_max3A_204 = vector.extract %reduce_max3A_203[15] : i32 from vector<16xi32>
    %lt3A_205 = arith.constant 5 : i32
    %lt3A_206 = arith.cmpi slt, %lt3A_205, %select_n3A_28 : i32
    %jit3A_207 = arith.constant 0 : i32
    %select_n3A_208 = arith.select %lt3A_206, %reduce_max3A_194, %jit3A_207 : i32
    %add3A_209 = arith.addi %add3A_181, %select_n3A_208 : i32
    %jit3A_210 = arith.constant 0 : i32
    %select_n3A_211 = arith.select %lt3A_206, %reduce_max3A_204, %jit3A_210 : i32
    %add3A_212 = arith.addi %add3A_184, %select_n3A_211 : i32
    %get3A_213 = arith.constant 96 : index
    %get3A_214 = tpu.vector_load %arg11[%get3A_213] {strides = array<i32>} : memref<256xi32, #tpu.memory_space<vmem>>, vector<16xi32>,
    %reduce_max3A_215 = arith.constant true
    %reduce_max3A_216 = vector.broadcast %reduce_max3A_215 : i1 to vector<16xi1>
    %reduce_max3A_217 = arith.constant -2147483648 : i32
    %reduce_max3A_218 = vector.broadcast %reduce_max3A_217 : i32 to vector<16xi32>
    %reduce_max3A_219 = arith.xori %get3A_214, %reduce_max3A_218 : vector<16xi32>
    %reduce_max3A_220 = tpu.scan <max>, %reduce_max3A_219 masked %reduce_max3A_216 : vector<16xi32>, vector<16xi1> -> vector<16xi32>
    %reduce_max3A_221 = arith.xori %reduce_max3A_220, %reduce_max3A_218 : vector<16xi32>
    %reduce_max3A_222 = vector.extract %reduce_max3A_221[15] : i32 from vector<16xi32>
    %get3A_223 = arith.constant 224 : index
    %get3A_224 = tpu.vector_load %arg11[%get3A_223] {strides = array<i32>} : memref<256xi32, #tpu.memory_space<vmem>>, vector<16xi32>,
    %reduce_max3A_225 = arith.constant true
    %reduce_max3A_226 = vector.broadcast %reduce_max3A_225 : i1 to vector<16xi1>
    %reduce_max3A_227 = arith.constant -2147483648 : i32
    %reduce_max3A_228 = vector.broadcast %reduce_max3A_227 : i32 to vector<16xi32>
    %reduce_max3A_229 = arith.xori %get3A_224, %reduce_max3A_228 : vector<16xi32>
    %reduce_max3A_230 = tpu.scan <max>, %reduce_max3A_229 masked %reduce_max3A_226 : vector<16xi32>, vector<16xi1> -> vector<16xi32>
    %reduce_max3A_231 = arith.xori %reduce_max3A_230, %reduce_max3A_228 : vector<16xi32>
    %reduce_max3A_232 = vector.extract %reduce_max3A_231[15] : i32 from vector<16xi32>
    %lt3A_233 = arith.constant 6 : i32
    %lt3A_234 = arith.cmpi slt, %lt3A_233, %select_n3A_28 : i32
    %jit3A_235 = arith.constant 0 : i32
    %select_n3A_236 = arith.select %lt3A_234, %reduce_max3A_222, %jit3A_235 : i32
    %add3A_237 = arith.addi %add3A_209, %select_n3A_236 : i32
    %jit3A_238 = arith.constant 0 : i32
    %select_n3A_239 = arith.select %lt3A_234, %reduce_max3A_232, %jit3A_238 : i32
    %add3A_240 = arith.addi %add3A_212, %select_n3A_239 : i32
    %get3A_241 = arith.constant 112 : index
    %get3A_242 = tpu.vector_load %arg11[%get3A_241] {strides = array<i32>} : memref<256xi32, #tpu.memory_space<vmem>>, vector<16xi32>,
    %reduce_max3A_243 = arith.constant true
    %reduce_max3A_244 = vector.broadcast %reduce_max3A_243 : i1 to vector<16xi1>
    %reduce_max3A_245 = arith.constant -2147483648 : i32
    %reduce_max3A_246 = vector.broadcast %reduce_max3A_245 : i32 to vector<16xi32>
    %reduce_max3A_247 = arith.xori %get3A_242, %reduce_max3A_246 : vector<16xi32>
    %reduce_max3A_248 = tpu.scan <max>, %reduce_max3A_247 masked %reduce_max3A_244 : vector<16xi32>, vector<16xi1> -> vector<16xi32>
    %reduce_max3A_249 = arith.xori %reduce_max3A_248, %reduce_max3A_246 : vector<16xi32>
    %reduce_max3A_250 = vector.extract %reduce_max3A_249[15] : i32 from vector<16xi32>
    %get3A_251 = arith.constant 240 : index
    %get3A_252 = tpu.vector_load %arg11[%get3A_251] {strides = array<i32>} : memref<256xi32, #tpu.memory_space<vmem>>, vector<16xi32>,
    %reduce_max3A_253 = arith.constant true
    %reduce_max3A_254 = vector.broadcast %reduce_max3A_253 : i1 to vector<16xi1>
    %reduce_max3A_255 = arith.constant -2147483648 : i32
    %reduce_max3A_256 = vector.broadcast %reduce_max3A_255 : i32 to vector<16xi32>
    %reduce_max3A_257 = arith.xori %get3A_252, %reduce_max3A_256 : vector<16xi32>
    %reduce_max3A_258 = tpu.scan <max>, %reduce_max3A_257 masked %reduce_max3A_254 : vector<16xi32>, vector<16xi1> -> vector<16xi32>
    %reduce_max3A_259 = arith.xori %reduce_max3A_258, %reduce_max3A_256 : vector<16xi32>
    %reduce_max3A_260 = vector.extract %reduce_max3A_259[15] : i32 from vector<16xi32>
    %lt3A_261 = arith.constant 7 : i32
    %lt3A_262 = arith.cmpi slt, %lt3A_261, %select_n3A_28 : i32
    %jit3A_263 = arith.constant 0 : i32
    %select_n3A_264 = arith.select %lt3A_262, %reduce_max3A_250, %jit3A_263 : i32
    %add3A_265 = arith.addi %add3A_237, %select_n3A_264 : i32
    %jit3A_266 = arith.constant 0 : i32
    %select_n3A_267 = arith.select %lt3A_262, %reduce_max3A_260, %jit3A_266 : i32
    %add3A_268 = arith.addi %add3A_240, %select_n3A_267 : i32
    %eq3A_269 = arith.constant 0 : i32
    %eq3A_270 = arith.cmpi eq, %select_n3A, %eq3A_269 : i32
    %select_n3A_271 = arith.select %eq3A_270, %add3A_265, %add3A_268 : i32
    %scan3A_272 = arith.constant 0 : i32
    %scan3A_273 = arith.constant 0 : i32
    %scan3A_274 = arith.constant 64 : i32
    %scan3A_275 = arith.addi %scan3A_273, %scan3A_274 : i32
    %scan3A_276 = arith.constant 1 : i32
    %scan3A_277 = scf.for %scan3A_285 = %scan3A_273 to %scan3A_275 step %scan3A_276 iter_args(%scan3A_286 = %scan3A_272) -> (i32)  : i32 {
      %mul3A_287 = arith.constant 16 : i32
      %mul3A_288 = arith.muli %scan3A_285, %mul3A_287 : i32
      %get3A_289 = arith.index_cast %mul3A_288 : i32 to index
      %get3A_290 = tpu.vector_load %arg5[%get3A_289] {strides = array<i32>} : memref<1024xf32, #tpu.memory_space<vmem>>, vector<16xf32>,
      %ge3A = arith.constant 0.000000e+00 : f32
      %ge3A_291 = vector.broadcast %ge3A : f32 to vector<16xf32>
      %ge3A_292 = arith.cmpf oge, %get3A_290, %ge3A_291 : vector<16xf32>
      %convert_element_type3A_293 = arith.extui %ge3A_292 : vector<16xi1> to vector<16xi32>
      %broadcast_in_dim3A_294 = arith.constant true
      %broadcast_in_dim3A_295 = vector.broadcast %broadcast_in_dim3A_294 : i1 to vector<16xi1>
      %masked_cumsum3A = tpu.scan <sum>, %convert_element_type3A_293 masked %broadcast_in_dim3A_295 : vector<16xi32>, vector<16xi1> -> vector<16xi32>
      %add3A_296 = arith.addi %select_n3A_271, %scan3A_286 : i32
      %add3A_297 = vector.broadcast %add3A_296 : i32 to vector<16xi32>
      %add3A_298 = arith.addi %add3A_297, %masked_cumsum3A : vector<16xi32>
      %sub3A_299 = arith.constant 1 : i32
      %sub3A_300 = vector.broadcast %sub3A_299 : i32 to vector<16xi32>
      %sub3A_301 = arith.subi %add3A_298, %sub3A_300 : vector<16xi32>
      %lt3A_302 = arith.constant 1024 : i32
      %lt3A_303 = vector.broadcast %lt3A_302 : i32 to vector<16xi32>
      %lt3A_304 = arith.cmpi slt, %sub3A_301, %lt3A_303 : vector<16xi32>
      %and3A_305 = arith.andi %ge3A_292, %lt3A_304 : vector<16xi1>
      %jit3A_306 = arith.constant 16 : i32
      %eq3A_307 = arith.constant 0 : i32
      %eq3A_308 = arith.cmpi eq, %jit3A_306, %eq3A_307 : i32
      %jit3A_309 = arith.constant 1 : i32
      %select_n3A_310 = arith.select %eq3A_308, %jit3A_309, %jit3A_306 : i32
      %rem3A_311 = arith.remsi %scan3A_285, %select_n3A_310 : i32
      %ne3A_312 = arith.constant 0 : i32
      %ne3A_313 = arith.cmpi ne, %rem3A_311, %ne3A_312 : i32
      %lt3A_314 = arith.constant 0 : i32
      %lt3A_315 = arith.cmpi slt, %rem3A_311, %lt3A_314 : i32
      %lt3A_316 = arith.constant 0 : i32
      %lt3A_317 = arith.cmpi slt, %select_n3A_310, %lt3A_316 : i32
      %ne3A_318 = arith.xori %lt3A_315, %lt3A_317 : i1
      %and3A_319 = arith.andi %ne3A_318, %ne3A_313 : i1
      %add3A_320 = arith.addi %rem3A_311, %select_n3A_310 : i32
      %select_n3A_321 = arith.select %and3A_319, %add3A_320, %rem3A_311 : i32
      %mul3A_322 = arith.constant 16 : i32
      %mul3A_323 = arith.muli %select_n3A_321, %mul3A_322 : i32
      %add3A_324 = arith.constant 1024 : i32
      %add3A_325 = arith.addi %add3A_324, %mul3A_323 : i32
      %add3A_326 = vector.broadcast %add3A_325 : i32 to vector<16xi32>
      %add3A_327 = arith.addi %add3A_326, %iota3A : vector<16xi32>
      %select_n3A_328 = arith.select %and3A_305, %sub3A_301, %add3A_327 : vector<16xi1>, vector<16xi32>
      %mul3A_329 = arith.constant 2048 : i32
      %mul3A_330 = arith.muli %select_n3A, %mul3A_329 : i32
      %add3A_331 = vector.broadcast %mul3A_330 : i32 to vector<16xi32>
      %add3A_332 = arith.addi %select_n3A_328, %add3A_331 : vector<16xi32>
      %mul3A_333 = arith.constant 16 : i32
      %mul3A_334 = arith.muli %scan3A_285, %mul3A_333 : i32
      %swap3A_335 = arith.index_cast %mul3A_334 : i32 to index
      %swap3A_336 = tpu.vector_load %arg6[%swap3A_335] {strides = array<i32>} : memref<1024xi32, #tpu.memory_space<vmem>>, vector<16xi32>,
      tpu.vector_store %arg6[%swap3A_335], %add3A_332 {strides = array<i32>} : memref<1024xi32, #tpu.memory_space<vmem>>, vector<16xi32>,
      %mul3A_337 = arith.constant 1024 : i32
      %mul3A_338 = arith.muli %select_n3A_28, %mul3A_337 : i32
      %mul3A_339 = arith.constant 16 : i32
      %mul3A_340 = arith.muli %scan3A_285, %mul3A_339 : i32
      %add3A_341 = arith.addi %mul3A_338, %mul3A_340 : i32
      %add3A_342 = vector.broadcast %add3A_341 : i32 to vector<16xi32>
      %add3A_343 = arith.addi %add3A_342, %iota3A : vector<16xi32>
      %mul3A_344 = arith.constant 16 : i32
      %mul3A_345 = arith.muli %scan3A_285, %mul3A_344 : i32
      %swap3A_346 = arith.index_cast %mul3A_345 : i32 to index
      %swap3A_347 = tpu.vector_load %arg7[%swap3A_346] {strides = array<i32>} : memref<1024xi32, #tpu.memory_space<vmem>>, vector<16xi32>,
      tpu.vector_store %arg7[%swap3A_346], %add3A_343 {strides = array<i32>} : memref<1024xi32, #tpu.memory_space<vmem>>, vector<16xi32>,
      %reduce_sum3A = arith.constant true
      %reduce_sum3A_348 = vector.broadcast %reduce_sum3A : i1 to vector<16xi1>
      %reduce_sum3A_349 = tpu.scan <sum>, %convert_element_type3A_293 masked %reduce_sum3A_348 : vector<16xi32>, vector<16xi1> -> vector<16xi32>
      %reduce_sum3A_350 = vector.extract %reduce_sum3A_349[15] : i32 from vector<16xi32>
      %add3A_351 = arith.addi %scan3A_286, %reduce_sum3A_350 : i32
      scf.yield %add3A_351 : i32
    }
    %scan3A_278 = arith.constant 64 : i32
    "tpu.region"() ({
      %run_scoped3A = tpu.sem_alloc : memref<!tpu.dma_semaphore, #tpu.memory_space<semaphore_mem>>
      %dma_start3A = arith.constant 0 : i32
      %dma_start3A_285 = tpu.memref_slice %arg13[%dma_start3A] : memref<4096xi32, #tpu.memory_space<vmem_shared>> -> memref<4096xi32, #tpu.memory_space<vmem_shared>>
      tpu.enqueue_indirect_dma source(%arg7 : memref<1024xi32, #tpu.memory_space<vmem>>) target(%dma_start3A_285 : memref<4096xi32, #tpu.memory_space<vmem_shared>>) offsets(%arg6 : memref<1024xi32, #tpu.memory_space<vmem>>) semaphore(%run_scoped3A : memref<!tpu.dma_semaphore, #tpu.memory_space<semaphore_mem>>)
      %dma_wait3A = arith.constant 0 : i32
      %dma_wait3A_286 = tpu.memref_slice %arg13[%dma_wait3A] : memref<4096xi32, #tpu.memory_space<vmem_shared>> -> memref<4096xi32, #tpu.memory_space<vmem_shared>>
      tpu.wait_indirect_dma semaphore(%run_scoped3A : memref<!tpu.dma_semaphore, #tpu.memory_space<semaphore_mem>>) src(%arg7 : memref<1024xi32, #tpu.memory_space<vmem>>) dst(%dma_wait3A_286 : memref<4096xi32, #tpu.memory_space<vmem_shared>>)
      tpu.yield
    }) : () -> ()
    %barrier3A_279 = arith.constant 0 : index
    tpu.barrier barrier_id(%barrier3A_279)
    %eq3A_280 = arith.constant 0 : i32
    %eq3A_281 = arith.cmpi eq, %select_n3A_28, %eq3A_280 : i32
    %convert_element_type3A_282 = arith.extui %eq3A_281 : i1 to i32
    %cond3A_283 = arith.constant 0 : i32
    %cond3A_284 = arith.cmpi ne, %convert_element_type3A_282, %cond3A_283 : i32
    scf.if %cond3A_284 {
      %mul3A_285 = arith.constant 2048 : i32
      %mul3A_286 = arith.muli %select_n3A, %mul3A_285 : i32
      "tpu.region"() ({
        %run_scoped3A = tpu.sem_alloc : memref<!tpu.dma_semaphore, #tpu.memory_space<semaphore_mem>>
        %dma_start3A = arith.constant 0 : i32
        %dma_start3A_294 = tpu.memref_slice %arg3[%add3A_30, %dma_start3A] : memref<4x1024xi32, #tpu.memory_space<hbm>> -> memref<1x1024xi32, #tpu.memory_space<hbm>>
        %dma_start3A_295 = tpu.memref_squeeze %dma_start3A_294 : memref<1x1024xi32, #tpu.memory_space<hbm>> -> memref<1024xi32, #tpu.memory_space<hbm>>
        %dma_start3A_296 = tpu.memref_slice %arg13[%mul3A_286] : memref<4096xi32, #tpu.memory_space<vmem_shared>> -> memref<1024xi32, #tpu.memory_space<vmem_shared>>
        tpu.enqueue_dma source(%dma_start3A_296 : memref<1024xi32, #tpu.memory_space<vmem_shared>>) target(%dma_start3A_295 : memref<1024xi32, #tpu.memory_space<hbm>>) target_semaphore(%run_scoped3A : memref<!tpu.dma_semaphore, #tpu.memory_space<semaphore_mem>>)
        %dma_wait3A = arith.constant 0 : i32
        %dma_wait3A_297 = tpu.memref_slice %arg3[%add3A_30, %dma_wait3A] : memref<4x1024xi32, #tpu.memory_space<hbm>> -> memref<1x1024xi32, #tpu.memory_space<hbm>>
        %dma_wait3A_298 = tpu.memref_squeeze %dma_wait3A_297 : memref<1x1024xi32, #tpu.memory_space<hbm>> -> memref<1024xi32, #tpu.memory_space<hbm>>
        %dma_wait3A_299 = tpu.memref_slice %arg13[%mul3A_286] : memref<4096xi32, #tpu.memory_space<vmem_shared>> -> memref<1024xi32, #tpu.memory_space<vmem_shared>>
        tpu.wait_dma2 semaphore(%run_scoped3A : memref<!tpu.dma_semaphore, #tpu.memory_space<semaphore_mem>>) src(%dma_wait3A_299 : memref<1024xi32, #tpu.memory_space<vmem_shared>>) dst(%dma_wait3A_298 : memref<1024xi32, #tpu.memory_space<hbm>>)
        tpu.yield
      }) : () -> ()
      %scan3A_287 = arith.constant 0 : i32
      %scan3A_288 = arith.constant 0 : i32
      %scan3A_289 = arith.constant 64 : i32
      %scan3A_290 = arith.addi %scan3A_288, %scan3A_289 : i32
      %scan3A_291 = arith.constant 1 : i32
      %scan3A_292 = scf.for %scan3A_294 = %scan3A_288 to %scan3A_290 step %scan3A_291 iter_args(%scan3A_295 = %scan3A_287) -> (i32)  : i32 {
        %broadcast_in_dim3A_296 = arith.constant 1.000000e+00 : f32
        %broadcast_in_dim3A_297 = vector.broadcast %broadcast_in_dim3A_296 : f32 to vector<16xf32>
        %mul3A_298 = arith.constant 16 : i32
        %mul3A_299 = arith.muli %scan3A_294, %mul3A_298 : i32
        %swap3A_300 = arith.index_cast %mul3A_299 : i32 to index
        %swap3A_301 = tpu.vector_load %arg9[%swap3A_300] {strides = array<i32>} : memref<1024xf32, #tpu.memory_space<vmem>>, vector<16xf32>,
        tpu.vector_store %arg9[%swap3A_300], %broadcast_in_dim3A_297 {strides = array<i32>} : memref<1024xf32, #tpu.memory_space<vmem>>, vector<16xf32>,
        %scan3A_302 = arith.constant 0 : i32
        scf.yield %scan3A_302 : i32
      }
      %scan3A_293 = arith.constant 64 : i32
      "tpu.region"() ({
        %run_scoped3A = tpu.sem_alloc : memref<!tpu.dma_semaphore, #tpu.memory_space<semaphore_mem>>
        %dma_start3A = arith.constant 0 : i32
        %dma_start3A_294 = tpu.memref_slice %arg4[%add3A_30, %dma_start3A] : memref<4x1024xf32, #tpu.memory_space<hbm>> -> memref<1x1024xf32, #tpu.memory_space<hbm>>
        %dma_start3A_295 = tpu.memref_squeeze %dma_start3A_294 : memref<1x1024xf32, #tpu.memory_space<hbm>> -> memref<1024xf32, #tpu.memory_space<hbm>>
        %dma_start3A_296 = arith.constant 0 : i32
        %dma_start3A_297 = tpu.memref_slice %arg4[%add3A_30, %dma_start3A_296] : memref<4x1024xf32, #tpu.memory_space<hbm>> -> memref<1x1024xf32, #tpu.memory_space<hbm>>
        %dma_start3A_298 = tpu.memref_squeeze %dma_start3A_297 : memref<1x1024xf32, #tpu.memory_space<hbm>> -> memref<1024xf32, #tpu.memory_space<hbm>>
        tpu.enqueue_dma source(%arg9 : memref<1024xf32, #tpu.memory_space<vmem>>) target(%dma_start3A_298 : memref<1024xf32, #tpu.memory_space<hbm>>) target_semaphore(%run_scoped3A : memref<!tpu.dma_semaphore, #tpu.memory_space<semaphore_mem>>)
        %dma_wait3A = arith.constant 0 : i32
        %dma_wait3A_299 = tpu.memref_slice %arg4[%add3A_30, %dma_wait3A] : memref<4x1024xf32, #tpu.memory_space<hbm>> -> memref<1x1024xf32, #tpu.memory_space<hbm>>
        %dma_wait3A_300 = tpu.memref_squeeze %dma_wait3A_299 : memref<1x1024xf32, #tpu.memory_space<hbm>> -> memref<1024xf32, #tpu.memory_space<hbm>>
        %dma_wait3A_301 = arith.constant 0 : i32
        %dma_wait3A_302 = tpu.memref_slice %arg4[%add3A_30, %dma_wait3A_301] : memref<4x1024xf32, #tpu.memory_space<hbm>> -> memref<1x1024xf32, #tpu.memory_space<hbm>>
        %dma_wait3A_303 = tpu.memref_squeeze %dma_wait3A_302 : memref<1x1024xf32, #tpu.memory_space<hbm>> -> memref<1024xf32, #tpu.memory_space<hbm>>
        tpu.wait_dma2 semaphore(%run_scoped3A : memref<!tpu.dma_semaphore, #tpu.memory_space<semaphore_mem>>) src(%arg9 : memref<1024xf32, #tpu.memory_space<vmem>>) dst(%dma_wait3A_303 : memref<1024xf32, #tpu.memory_space<hbm>>)
        tpu.yield
      }) : () -> ()
    } else {
    }
    return
  }
}

</mosaic_0001>

<sc_bundles>
// kernel: _select.3.cloned.1.call-start
scs
__scs_entry_jumppad:
0x0: {  	(pc) =	sbr.rel $0x88, $3  }
0x1: {  	(tag) =	ssettag $0x0;
	lr =	simm.s32 $0x1  }
0x2: {  	[smem:$0x3FA0] =	sst lr;
	_ =	strace $0xD0000000  }
0x3: {  	_ = 	snop  }
0x4: {  	_ = 	snop  }
0x5: {  	_ = 	snop  }
0x6: {  	_ = 	snop  }
0x7: {  	_ = 	snop  }
__scs_overlays_trampoline_lowered:
0x8: {  	[smem:$0x3FAF] =	sst s0  }
0x9: {  	[smem:$0x3FB0] =	sst s1  }
0xa: {  	[smem:$0x3FB1] =	sst s2  }
0xb: {  	[smem:$0x3FB2] =	sst s3  }
0xc: {  	[smem:$0x3FB3] =	sst s4  }
0xd: {  	[smem:$0x3FB4] =	sst s5  }
0xe: {  	[smem:$0x3FB5] =	sst s6  }
0xf: {  	[smem:$0x3FB6] =	sst s7  }
0x10: {  	[smem:$0x3FB7] =	sst s8  }
0x11: {  	[smem:$0x3FB8] =	sst s9;
	s0 =	simm.s32 @!p0 $0x0  }
0x12: {  	s1 =	sld [smem:$0x3F9E];
	s0 =	simm.s32 @p0 $0x1  }
0x13: {  	[smem:$0x3FB9] =	sst s0;
	s0 =	simm.s32 @!p1 $0x0  }
0x14: {  	s2 =	sld [smem:$0x3F9D];
	s0 =	simm.s32 @p1 $0x1  }
0x15: {  	[smem:$0x3FBA] =	sst s0;
	s0 =	simm.s32 @!p2 $0x0  }
0x16: {  	s3 =	sld [smem:$0x3FDB];
	s0 =	simm.s32 @p2 $0x1  }
0x17: {  	s4 =	simm.s32 $0x1BF5;
	[smem:$0x3FBC] =	sst s0  }
0x18: {  	s0 =	sld [smem:$0x3F9F];
	_ =	swait.ge [sflag:s4], $0x0  }
0x19: {  	s7 =	sld [smem:$0x3FA0]  }
0x1a: {  	s8 =	sadd.s32 $0xFFFFE003, lr  }
0x1b: {  	s9 =	sadd.s32 $0xFFFFFEF7, lr;
	s5 =	simm.s32 $0xFFFFFFFF;
	p2 =	slt.u32 s8, $0xFFFFF086  }
0x1c: {  	p1 =	slt.u32 s9, $0xF7A;
	s5 =	simm.s32 @!p2 $0x0  }
0x1d: {  	s5 =	simm.s32 @p1 $0x1;
	p0 =	seq.s32 s7, s2  }
0x1e: {  	s7 =	smul.u32 @!p0 $0xF7A, s2;
	p2 =	seq.s32 @!p0 s5, $0x0  }
0x1f: {  	s9 =	smul.u32 $0xF7A, s1;
	s8 =	simm.s32 @!p0 $0x1BF5;
	p2 =	por !p2, p0  }
0x20: {  	[sflag:s8] =	ssyncset.s32 @!p0 $0xFFFFF086;
	s6 =	sadd.s32 @!p0 s3, s7;
	s7 =	simm.s32 @!p0 $0x108  }
0x21: {  	s3 =	sadd.s32 s3, s9;
	s6 =	sadd.s32 @!p0 $0x88, s6;
	s7 =	simm.s32 @p2 $0x1082  }
0x22: {  	[simem:s7], [sflag:s8] =	dma.local @!p0 [hbm:s6], $0xF7A  }
0x23: {  	s9 =	sor.u32 $0xD0000000, s2;
	s6 =	simm.s32 $0x108;
	_ =	swait.ge @!p0 [sflag:s8], $0x0  }
0x24: {  	s3 =	sadd.s32 $0x88, s3;
	s6 =	simm.s32 @!p1 $0x1082;
	[sflag:s4] =	ssyncset.s32 $0xFFFFF086  }
0x25: {  	[simem:s6], [sflag:s4] =	dma.local [hbm:s3], $0xF7A  }
0x26: {  	[smem:$0x3FA0] =	sst s1;
	(tag) =	ssettag s2;
	_ =	strace s9  }
0x27: {  	s1 =	sld [smem:$0x3FB0]  }
0x28: {  	s2 =	sld [smem:$0x3FB1]  }
0x29: {  	s4 =	sld [smem:$0x3FB3]  }
0x2a: {  	p0 =	seq.s32 s5, $0x0;
	s5 =	sld [smem:$0x3FB4]  }
0x2b: {  	s6 =	sld [smem:$0x3FB5]  }
0x2c: {  	s7 =	sld [smem:$0x3FB6]  }
0x2d: {  	s3 =	simm.s32 $0x108;
	s8 =	sld [smem:$0x3FB7]  }
0x2e: {  	s3 =	simm.s32 @!p0 $0x1082;
	s9 =	sld [smem:$0x3FB8]  }
0x2f: {  	lr =	sadd.s32 s0, s3;
	s0 =	sld [smem:$0x3FAF]  }
0x30: {  	s3 =	sld [smem:$0x3FB2]  }
0x31: {  	[smem:$0x3FBB] =	sst s10  }
0x32: {  	s10 =	sld [smem:$0x3FB9];
	_ =	sdelay $0x3  }
0x33: {  	p0 =	seq.s32 s10, $0x1;
	s10 =	sld [smem:$0x3FBB];
	_ =	sdelay $0x3  }
0x34: {  	[smem:$0x3FBB] =	sst s10  }
0x35: {  	s10 =	sld [smem:$0x3FBA];
	_ =	sdelay $0x3  }
0x36: {  	p1 =	seq.s32 s10, $0x1;
	s10 =	sld [smem:$0x3FBB];
	_ =	sdelay $0x3  }
0x37: {  	[smem:$0x3FBB] =	sst s10  }
0x38: {  	s10 =	sld [smem:$0x3FBC]  }
0x39: {  	_ = 	snop;
	(pc) =	sbr.ind lr, $3  }
0x3a: {  	_ = 	snop  }
0x3b: {  	_ = 	snop  }
0x3c: {  	p2 =	seq.s32 s10, $0x1;
	s10 =	sld [smem:$0x3FBB]  }
0x3d: {  	_ =	shalt  }
0x3e: {  	_ =	shalt  }
0x3f: {  	_ =	shalt  }
0x40: {  	_ =	shalt  }
0x41: {  	_ =	shalt  }
0x42: {  	_ =	shalt  }
0x43: {  	_ =	shalt  }
0x44: {  	_ =	shalt  }
0x45: {  	_ =	shalt  }
0x46: {  	_ =	shalt  }
0x47: {  	_ =	shalt  }
0x48: {  	_ =	shalt  }
0x49: {  	_ =	shalt  }
0x4a: {  	_ =	shalt  }
0x4b: {  	_ =	shalt  }
0x4c: {  	_ =	shalt  }
0x4d: {  	_ =	shalt  }
0x4e: {  	_ =	shalt  }
0x4f: {  	_ =	shalt  }
0x50: {  	_ =	shalt  }
0x51: {  	_ =	shalt  }
0x52: {  	_ =	shalt  }
0x53: {  	_ =	shalt  }
0x54: {  	_ =	shalt  }
0x55: {  	_ =	shalt  }
0x56: {  	_ =	shalt  }
0x57: {  	_ =	shalt  }
0x58: {  	_ =	shalt  }
0x59: {  	_ =	shalt  }
0x5a: {  	_ =	shalt  }
0x5b: {  	_ =	shalt  }
0x5c: {  	_ =	shalt  }
0x5d: {  	_ =	shalt  }
0x5e: {  	_ =	shalt  }
0x5f: {  	_ =	shalt  }
0x60: {  	_ =	shalt  }
0x61: {  	_ =	shalt  }
0x62: {  	_ =	shalt  }
0x63: {  	_ =	shalt  }
0x64: {  	_ =	shalt  }
0x65: {  	_ =	shalt  }
0x66: {  	_ =	shalt  }
0x67: {  	_ =	shalt  }
0x68: {  	_ =	shalt  }
0x69: {  	_ =	shalt  }
0x6a: {  	_ =	shalt  }
0x6b: {  	_ =	shalt  }
0x6c: {  	_ =	shalt  }
0x6d: {  	_ =	shalt  }
0x6e: {  	_ =	shalt  }
0x6f: {  	_ =	shalt  }
0x70: {  	_ =	shalt  }
0x71: {  	_ =	shalt  }
0x72: {  	_ =	shalt  }
0x73: {  	_ =	shalt  }
0x74: {  	_ =	shalt  }
0x75: {  	_ =	shalt  }
0x76: {  	_ =	shalt  }
0x77: {  	_ =	shalt  }
0x78: {  	_ =	shalt  }
0x79: {  	_ =	shalt  }
0x7a: {  	_ =	shalt  }
0x7b: {  	_ =	shalt  }
0x7c: {  	_ =	shalt  }
0x7d: {  	_ =	shalt  }
0x7e: {  	_ =	shalt  }
0x7f: {  	_ =	shalt  }
0x80: {  	_ =	shalt  }
0x81: {  	_ =	shalt  }
0x82: {  	_ =	shalt  }
0x83: {  	_ =	shalt  }
0x84: {  	_ =	shalt  }
0x85: {  	_ =	shalt  }
0x86: {  	_ =	shalt  }
0x87: {  	_ =	shalt  }
.Lfunc_end0:
.L_simem_size_0:
called_computation_lowered:
.L_overlay_start_0:
0x88: {  	s2 =	sld [smem:$0x3FD9]  }
0x89: {  	s3 =	sld [smem:$0x3FFE];
	_ =	sdelay $0x1  }
0x8a: {  	s1 =	srdreg.scid  }
0x8b: {  	s0 =	sand.u32 $0x1, s1  }
0x8c: {  	s15 =	sshll.u32 s0, $0xA;
	s2 =	sadd.s32 s3, s2  }
0x8d: {  	s2 =	sadd.s32 s2, s15  }
0x8e: {  	[smem:$0x3FC7] =	sst s2  }
0x8f: {  	_ = 	snop  }
0x90: {  	s2 =	sld [smem:$0x3FD0];
	_ =	sdelay $0x2  }
0x91: {  	s4 =	simm.s32 $0xA;
	s5 =	simm.s32 $0x10;
	s16 =	sld [smem:$0x3FC9]  }
0x92: {  	[smem:s5], [sflag:s4] =	dma.local [hbm:s2], $0x1  }
0x93: {  	_ =	swait.eq [sflag:s4], $0x1  }
0x94: {  	[sflag:s4] =	ssyncset.done $0x0  }
0x95: {  	s17 =	sld [smem:$0x10];
	[sflag:s4] =	ssyncadd.s32 $0xFFFFFFFF  }
0x96: {  	s18 =	sld [smem:$0x11];
	(tm) =	ssettm $0x1  }
0x97: {  	s19 =	sld [smem:$0x3FFB];
	_ =	sdelay $0x3  }
0x98: {  	_ =	strace s19  }
0x99: {  	s5 =	sld [smem:$0x3FFC];
	_ =	sdelay $0x3  }
0x9a: {  	_ =	strace s5  }
0x9b: {  	s5 =	sld [smem:$0x3FFD];
	_ =	sdelay $0x3  }
0x9c: {  	_ =	strace s5  }
0x9d: {  	_ =	strace $0x8FFFFFFF  }
0x9e: {  	s20 =	sld [smem:$0x3FDB];
	_ =	sdelay $0x1  }
0x9f: {  	s6 =	simm.s32 $_scs_section_size  }
0xa0: {  	s7 =	simm.s32 $_size__tile_overlayer_lowered;
	s8 =	simm.s32 $_tile_overlayer_lowered  }
0xa1: {  	s23 =	simm.s32 $0x1BFF;
	s22 =	sshll.u32 s8, $0x1;
	s5 =	sadd.s32 s6, s20  }
0xa2: {  	s9 =	simm.s32 $0x0;
	s21 =	sshll.u32 s7, $0x1;
	s7 =	sadd.s32 s22, s5  }
0xa3: {  	[timem:s9], [sflag:s23] =	dma.local [hbm:s7], s21  }
0xa4: {  	_ =	swait.ge [sflag:s23], s21  }
0xa5: {  	s6 =	ssub.s32 $0x0, s21;
	[sflag:s23] =	ssyncset.done $0x0  }
0xa6: {  	[sflag:s23] =	ssyncadd.s32 s6;
	_ =	sdelay $0x1  }
0xa7: {  	s24 =	simm.s32 $0x1B8B  }
0xa8: {  	_ =	swait.ge [sflag:s24], $0x1  }
0xa9: {  	[sflag:s24] =	ssyncset.done $0x0  }
0xaa: {  	s25 =	simm.s32 $0x1B8E;
	[sflag:s24] =	ssyncadd.s32 $0xFFFFFFFF  }
0xab: {  	s26 =	simm.s32 $execute0_lowered;
	[smem:$0x3FD2] =	sst s25  }
0xac: {  	s6 =	sshll.u32 s26, $0x1;
	_ =	strace $0x80000046;
	[dreg:$0x1] =	wrdreg $0xFFFFFFFF  }
0xad: {  	s28 =	simm.s32 $_size_execute0_lowered;
	s5 =	sadd.s32 s5, s6;
	[dreg:$0x0] =	wrdreg $0x0  }
0xae: {  	s6 =	sshll.u32 s28, $0x1;
	[dreg:$0x2] =	wrdreg s5  }
0xaf: {  	[dreg:$0x3] =	wrdreg s6  }
0xb0: {  	[dreg:$0x4] =	wrdreg $0xC0  }
0xb1: {  	_ =	task [dreg:s9], $0x5FFFF  }
0xb2: {  	[dreg:$0x1] =	wrdreg $0xFFFFFFFF  }
0xb3: {  	[dreg:$0x0] =	wrdreg $0x60  }
0xb4: {  	[dreg:$0x2] =	wrdreg s16  }
0xb5: {  	[dreg:$0x3] =	wrdreg s17  }
0xb6: {  	[dreg:$0x4] =	wrdreg s18  }
0xb7: {  	[dreg:$0x5] =	wrdreg $0x15900  }
0xb8: {  	[dreg:$0x6] =	wrdreg $0x15800  }
0xb9: {  	[dreg:$0x7] =	wrdreg $0x9  }
0xba: {  	_ =	task.clear_ibuf [dreg:s9], $0x8FFFF;
	_ =	strace $0x90000046  }
0xbb: {  	s29 =	simm.s32 $0x9;
	_ =	strace $0x80000048  }
0xbc: {  	_ =	swait.ge [sflag:s29], $0x1  }
0xbd: {  	[sflag:s29] =	ssyncadd.s32 $0xFFFFFFFF  }
0xbe: {  	_ =	strace $0x90000048  }
0xbf: {  	_ =	sfence  }
0xc0: {  	s30 =	sld [smem:$0x0];
	_ =	sdelay $0x2  }
0xc1: {  	s31 =	sshll.u32 s1, $0xD;
	s1 =	sshrl.u32 s1, $0x2  }
0xc2: {  	s3 =	sand.u32 $0x4000, s31;
	s1 =	sadd.s32 s1, s30  }
0xc3: {  	s0 =	sor.u32 s3, s0;
	s1 =	sshll.u32 s1, $0x11  }
0xc4: {  	s0 =	sor.u32 s1, s0  }
0xc5: {  	s0 =	sadd.s32 $0x8F2B, s0  }
0xc6: {  	[sflag:s0] =	ssyncadd.remote.s32 $0x1  }
0xc7: {  	_ =	sfence.sel $0xFFFF  }
0xc8: {  	[dreg:$0x0] =	wrdreg $0xFFFFFFFF;
	(pc) =	sbr.abs _section_cstart, $3  }
0xc9: {  	[dreg:$0x1] =	wrdreg $0xFFFFFFFF  }
0xca: {  	_ =	task.clear_ibuf [dreg:s9], $0x2FFFF;
	_ =	strace $0x9FFFFFFF  }
0xcb: {  	(tm) =	ssettm $0x7FFFFFFF  }
tec
execute0_lowered:
.L_overlay_start_1:
0x0: {  	(tag) =	ssettag $0x1  }
0x1: {  	s0 =	rddreg [dreg:$0x0]  }
0x2: {  	s10 =	rddreg [dreg:$0x1]  }
0x3: {  	s11 =	rddreg [dreg:$0x2]  }
0x4: {  	s1 =	rddreg [dreg:$0x3]  }
0x5: {  	s3 =	rddreg [dreg:$0x4];
	s5 =	srdreg.scid  }
0x6: {  	s4 =	simm.s32 $0x0;
	s2 =	stileid.u32;
	s14 =	simm.s32 $0x200  }
0x7: {  	s15 =	simm.s32 $0x1;
	s16 =	simm.s32 $0xC00;
	s18 =	simm.s32 $0x1480  }
0x8: {  	s19 =	simm.s32 $0x400;
	s20 =	simm.s32 $0x800;
	s22 =	simm.s32 $0x10  }
0x9: {  	s23 =	simm.s32 $0x1000;
	s24 =	simm.s32 $0x0;
	s5 =	sand.u32 $0x1, s5  }
0xa: {  	[smem:$0x7FF] =	sst s4;
	s17 =	sshrl.u32 s2, $0x3;
	s25 =	sand.u32 $0x7, s2  }
0xb: {  	s30 =	sshll.u32 s2, $0x4;
	s6 =	ssub.s32 $0x2, s5;
	s5 =	sshll.u32 s5, $0x8  }
0xc: {  	s7 =	sshll.u32 s17, $0x7;
	s28 =	sshll.u32 s25, $0xC;
	_ =	strace $0x80000047  }
0xd: {  	s21 =	sshll.u32 s17, $0xB;
	s9 =	sadd.s32 s30, s3;
	p0 =	sne.s32 s25, $0x0  }
0xe: {  	p3 =	sgt.u32 s25, $0x5;
	p4 =	sgt.u32 s25, $0x4;
	p5 =	sgt.u32 s25, $0x3  }
0xf: {  	p6 =	sgt.u32 s25, $0x2;
	p1 =	sgt.u32 s25, $0x1;
	s12 =	sor.u32 s5, s7  }
0x10: {  	s8 =	sshrl.u32 s6, $0x1;
	s5 =	sshll.u32 s25, $0xA;
	s29 =	sor.u32 s28, s12  }
0x11: {  	s7 =	sadd.s32 s21, s1;
	s13 =	ssub.s32 s6, s8;
	s6 =	sshrl.u32 s29, $0x3  }
0x12: {  	s8 =	sadd.s32 $0x400, s7;
	s6 =	sadd.s32 s0, s6;
	s0 =	simm.s32 @!p0 $0x0  }
0x13: {  	s31 =	sshrl.u32 s12, $0x3;
	s0 =	simm.s32 @p0 $0x1;
	p0 =	seq.s32 s17, $0x0  }
.Ltmp0:
0x14: {  	[smem:$0x7FB] =	sst s0;
	s0 =	simm.s32 @!p0 $0x0;
	(pc) =	sbr.rel .LBB2_1-.Ltmp0, $4  }
0x15: {  	s10 =	sadd.s32 s10, s31;
	s0 =	simm.s32 @p0 $0x1;
	p0 =	seq.s32 s25, $0x7  }
0x16: {  	s11 =	sadd.s32 s11, s31;
	[smem:$0x7FC] =	sst s0;
	s0 =	simm.s32 @!p0 $0x0  }
0x17: {  	v1 =	vimm.s32 $0x0;
	s12 =	smax.u32 s13, $0x1;
	s13 =	simm.s32 $0x80;
	s0 =	simm.s32 @p0 $0x1  }
0x18: {  	v2 =	vlaneseq.u32;
	v3 =	vimm.f32 $1.000000000e+00;
	v0 =	vmov s21;
	s17 =	simm.s32 $0x1400;
	p0 =	seq.s32 s25, $0x0;
	[smem:$0x7FD] =	sst s0  }
.LBB2_12:
0x19: {  	[tilespmem:s25+$0x1000] =	vst v3  }
0x1a: {  	[hbm4b:s11+s13] =	stream.strided.scatter [tilespmem:s23], [sflag:$0x1], $0x400, s14, s13, $0x38;
	[tilespmem:$0x1690] =	vst v63  }
0x1b: {  	_ =	swait.ge [sflag:s15], $0x400  }
0x1c: {  	[sflag:s15] =	ssyncset.done $0x0  }
0x1d: {  	[sflag:s15] =	ssyncadd.s32 $0xFFFFFC00  }
.LBB2_13:
0x1e: {  	s24 =	sadd.s32 $0x1, s24  }
0x1f: {  	p2 =	sne.s32 s24, s12  }
.Ltmp1:
0x20: {  	_ = 	snop;
	(pc) =	sbr.rel @!p2 .LBB2_14-.Ltmp1, $1  }
0x21: {  	_ =	sdelay $0x3  }
.LBB2_1:
0x22: {  	[tilespmem:s4], [sflag:$0x1] =	stream.strided.gather [hbm4b:s6+s13], $0x400, s14, s13, $0x38;
	[tilespmem:$0x1690] =	vst v63  }
0x23: {  	_ =	swait.ge [sflag:s15], $0x400  }
0x24: {  	s0 =	sld [smem:$0x7FB];
	_ =	sdelay $0x2  }
0x25: {  	p2 =	seq.s32 s0, $0x1  }
.Ltmp2:
0x26: {  	_ = 	snop;
	(pc) =	sbr.rel @p2 .LBB2_5-.Ltmp2, $3  }
0x27: {  	_ =	sdelay $0x1  }
0x28: {  	[sflag:s15] =	ssyncset.done $0x0  }
0x29: {  	[sflag:s15] =	ssyncadd.s32 $0xFFFFFC00  }
0x2a: {  	s0 =	simm.s32 $0x40;
	s25 =	simm.s32 $0x0  }
.LBB2_3:
0x2b: {  	p2 =	sne.s32 s0, $0xFC0;
	[tilespmem:s25+$0xC00] =	vst v1;
	s25 =	smov.u32 s0;
	s0 =	sadd.s32 $0x40, s0  }
.Ltmp3:
0x2c: {  	(pc) =	sbr.rel @p2 .LBB2_3-.Ltmp3, $2  }
0x2d: {  	_ =	sdelay $0x2  }
0x2e: {  	s25 =	sshra.s32 s25, $0x2  }
0x2f: {  	[tilespmem:s25+$0xC00] =	vst v1  }
0x30: {  	[spmem:s7] =	stream.linear.scatter [tilespmem:s16], [sflag:$0x1], $0x400, $0x38;
	[tilespmem:$0x1690] =	vst v63  }
0x31: {  	_ =	swait.ge [sflag:s15], $0x400  }
0x32: {  	[sflag:s15] =	ssyncset.done $0x0  }
0x33: {  	[sflag:s15] =	ssyncadd.s32 $0xFFFFFC00  }
0x34: {  	[spmem:s8] =	stream.linear.scatter [tilespmem:s16], [sflag:$0x1], $0x400, $0x38;
	[tilespmem:$0x1690] =	vst v63  }
0x35: {  	_ =	swait.ge [sflag:s15], $0x400  }
0x36: {  	[sflag:s15] =	ssyncset.done $0x0  }
0x37: {  	[sflag:s15] =	ssyncadd.s32 $0xFFFFFC00  }
.LBB2_5:
0x38: {  	s0 =	simm.s32 $0x0  }
0x39: {  	v4 =	vld [tilespmem:s0+$0x0]  }
0x3a: {  	s29 =	simm.s32 $0x10  }
0x3b: {  	s30 =	simm.s32 $0x20;
	v5 =	vld [tilespmem:s29+$0x0]  }
0x3c: {  	v6 =	vld [tilespmem:s30+$0x0];
	_ =	sdelay $0x1  }
0x3d: {  	vm0 =	vge.f32 v4, $0.0e+00  }
0x3e: {  	v4 =	vsel vm0, $0x1, v1  }
0x3f: {  	vm13 =	vge.f32 v5, $0.0e+00;
	(xrf0) =	vadd.scan.msk.s32 $0xffff, v4  }
0x40: {  	vm14 =	vge.f32 v6, $0.0e+00;
	v4 =	vsel vm13, $0x1, v1  }
0x41: {  	(xrf0) =	vadd.scan.msk.s32 $0xffff, v4;
	v4 =	vsel vm14, $0x1, v1  }
0x42: {  	s31 =	simm.s32 $0x30;
	(xrf0) =	vadd.scan.msk.s32 $0xffff, v4  }
0x43: {  	v5 =	vld [tilespmem:s31+$0x0];
	_ =	sdelay $0x1  }
0x44: {  	v4, _, _ =	vpop (xrf0)  }
0x45: {  	(v2sf) =	vpush v4, $0xF  }
0x46: {  	v4, _, _ =	vpop (xrf0)  }
0x47: {  	vm15 =	vge.f32 v5, $0.0e+00;
	(v2sf) =	vpush v4, $0xF;
	v5, _, _ =	vpop (xrf0)  }
0x48: {  	(v2sf) =	vpush v5, $0xF;
	_ =	sdelay $0x5  }
0x49: {  	s26 =	simm.s32 $0x40;
	v4 =	vsel vm15, $0x1, v1  }
0x4a: {  	(xrf0) =	vadd.scan.msk.s32 $0xffff, v4;
	v4 =	vld [tilespmem:s26+$0x0];
	_ =	sdelay $0x1  }
0x4b: {  	s25 =	simm.s32 $0x140;
	s0 =	simm.s32 $0x0  }
.LBB2_6:
0x4c: {  	p2 =	sne.s32 s25, $0xFC0  }
.Ltmp4:
0x4d: {  	s26 =	sshra.s32 s25, $0x2;
	(pc) =	sbr.rel @p2 .LBB2_6-.Ltmp4, $4  }
0x4e: {  	s25 =	sadd.s32 $0x40, s25;
	s28 =	spop (v2sf);
	vm0 =	vge.f32 v4, $0.0e+00  }
0x4f: {  	s0 =	sadd.s32 s0, s28;
	v4 =	vld [tilespmem:s26+$0x0];
	v6 =	vsel vm0, $0x1, v1  }
0x50: {  	(xrf0) =	vadd.scan.msk.s32 $0xffff, v6;
	v5, _, _ =	vpop (xrf0)  }
0x51: {  	(v2sf) =	vpush v5, $0xF  }
0x52: {  	_ =	sdelay $0x1  }
0x53: {  	vm0 =	vge.f32 v4, $0.0e+00  }
0x54: {  	v4 =	vsel vm0, $0x1, v1  }
0x55: {  	(xrf0) =	vadd.scan.msk.s32 $0xffff, v4;
	_ =	sdelay $0x4  }
0x56: {  	v4, _, _ =	vpop (xrf0)  }
0x57: {  	(v2sf) =	vpush v4, $0xF;
	v4, _, _ =	vpop (xrf0)  }
0x58: {  	(v2sf) =	vpush v4, $0xF;
	_ =	sdelay $0xa  }
0x59: {  	s25 =	spop (v2sf)  }
0x5a: {  	s0 =	sadd.s32 s0, s25;
	s21 =	spop (v2sf)  }
0x5b: {  	s0 =	sadd.s32 s0, s21;
	s26 =	spop (v2sf)  }
0x5c: {  	s0 =	sadd.s32 s0, s26;
	s21 =	spop (v2sf)  }
0x5d: {  	s0 =	sadd.s32 s0, s21;
	s26 =	spop (v2sf)  }
0x5e: {  	s0 =	sadd.s32 s0, s26  }
0x5f: {  	v4 =	vmov s0  }
0x60: {  	[tilespmem:$0x1400] =	vst v4  }
0x61: {  	[spmem:s9] =	stream.linear.scatter [tilespmem:s17], [sflag:$0x1], $0x10, $0x38;
	[tilespmem:$0x1690] =	vst v63  }
0x62: {  	_ =	swait.ge [sflag:s15], $0x10  }
0x63: {  	[sflag:s15] =	ssyncset.done $0x0  }
0x64: {  	[sflag:s15] =	ssyncadd.s32 $0xFFFFFFF0  }
0x65: {  	[bflag:$0x0] =	sbarrier.arrive $0xFFFF  }
0x66: {  	[tilespmem:s18], [sflag:$0x1] =	stream.linear.gather [spmem:s3], $0x100, $0x38;
	[tilespmem:$0x1690] =	vst v63  }
0x67: {  	_ =	swait.ge [sflag:s15], $0x100  }
0x68: {  	[sflag:s15] =	ssyncset.done $0x0  }
0x69: {  	[sflag:s15] =	ssyncadd.s32 $0xFFFFFF00  }
0x6a: {  	v4 =	vld [tilespmem:$0x1480]  }
0x6b: {  	v5 =	vld [tilespmem:$0x1500]  }
0x6c: {  	v6 =	vld [tilespmem:$0x1490]  }
0x6d: {  	v7 =	vld [tilespmem:$0x1510]  }
0x6e: {  	v8 =	vld [tilespmem:$0x14A0]  }
0x6f: {  	v9 =	vld [tilespmem:$0x1520];
	v4 =	vxor.u32 $0x80000000, v4  }
0x70: {  	(xrf0) =	vmax.scan.msk.u32 $0xffff, v4;
	v4 =	vxor.u32 $0x80000000, v5;
	v5 =	vld [tilespmem:$0x14B0]  }
0x71: {  	(xrf0) =	vmax.scan.msk.u32 $0xffff, v4;
	v4 =	vxor.u32 $0x80000000, v6;
	v6 =	vld [tilespmem:$0x1530]  }
0x72: {  	(xrf0) =	vmax.scan.msk.u32 $0xffff, v4;
	v4 =	vxor.u32 $0x80000000, v7  }
0x73: {  	(xrf0) =	vmax.scan.msk.u32 $0xffff, v4;
	v4 =	vxor.u32 $0x80000000, v8  }
0x74: {  	(xrf0) =	vmax.scan.msk.u32 $0xffff, v4;
	v4 =	vxor.u32 $0x80000000, v9  }
0x75: {  	(xrf0) =	vmax.scan.msk.u32 $0xffff, v4;
	v4 =	vxor.u32 $0x80000000, v5;
	v5 =	vld [tilespmem:$0x14C0]  }
0x76: {  	v7, _, _ =	vpop (xrf0);
	(xrf0) =	vmax.scan.msk.u32 $0xffff, v4;
	v4 =	vxor.u32 $0x80000000, v6;
	v6 =	vld [tilespmem:$0x1540]  }
0x77: {  	(v2sf) =	vpush v7, $0xF;
	v7, _, _ =	vpop (xrf0)  }
0x78: {  	v62, _, _ =	vpop (xrf0)  }
0x79: {  	(xrf0) =	vmax.scan.msk.u32 $0xffff, v4;
	v4 =	vld [tilespmem:$0x14D0];
	(v2sf) =	vpush v7, $0xF;
	v7, _, _ =	vpop (xrf0)  }
0x7a: {  	(v2sf) =	vpush v62, $0xF;
	v63, _, _ =	vpop (xrf0);
	v5 =	vxor.u32 $0x80000000, v5  }
0x7b: {  	(v2sf) =	vpush v7, $0xF;
	v7, _, _ =	vpop (xrf0);
	(xrf0) =	vmax.scan.msk.u32 $0xffff, v5;
	v5 =	vxor.u32 $0x80000000, v6  }
0x7c: {  	v6, _, _ =	vpop (xrf0);
	(xrf0) =	vmax.scan.msk.u32 $0xffff, v5;
	v5 =	vld [tilespmem:$0x1550]  }
0x7d: {  	(v2sf) =	vpush v63, $0xF  }
0x7e: {  	(v2sf) =	vpush v7, $0xF;
	v4 =	vxor.u32 $0x80000000, v4  }
0x7f: {  	(v2sf) =	vpush v6, $0xF;
	v6, _, _ =	vpop (xrf0);
	(xrf0) =	vmax.scan.msk.u32 $0xffff, v4;
	v4 =	vld [tilespmem:$0x14E0]  }
0x80: {  	(v2sf) =	vpush v6, $0xF;
	v6 =	vld [tilespmem:$0x1560]  }
0x81: {  	v5 =	vxor.u32 $0x80000000, v5  }
0x82: {  	v7, _, _ =	vpop (xrf0);
	(xrf0) =	vmax.scan.msk.u32 $0xffff, v5;
	_ =	sdelay $0x1  }
0x83: {  	v4 =	vxor.u32 $0x80000000, v4  }
0x84: {  	(v2sf) =	vpush v7, $0xF;
	v5, _, _ =	vpop (xrf0);
	(xrf0) =	vmax.scan.msk.u32 $0xffff, v4;
	v4 =	vxor.u32 $0x80000000, v6;
	_ =	sdelay $0x1  }
0x85: {  	(v2sf) =	vpush v5, $0xF;
	v5, _, _ =	vpop (xrf0);
	(xrf0) =	vmax.scan.msk.u32 $0xffff, v4  }
0x86: {  	(v2sf) =	vpush v5, $0xF;
	v4, _, _ =	vpop (xrf0)  }
0x87: {  	s0 =	spop (v2sf);
	(v2sf) =	vpush v4, $0xF;
	_ =	sdelay $0x2  }
0x88: {  	s25 =	spop (v2sf);
	v4, _, _ =	vpop (xrf0)  }
0x89: {  	s0 =	sxor.u32 $0x80000000, s0;
	s26 =	spop (v2sf);
	s25 =	sxor.u32 $0x80000000, s25;
	(v2sf) =	vpush v4, $0xF;
	v4, _, _ =	vpop (xrf0)  }
0x8a: {  	s0 =	simm.s32 @p0 $0x0;
	s28 =	spop (v2sf);
	s26 =	sxor.u32 $0x80000000, s26;
	(v2sf) =	vpush v4, $0xF  }
0x8b: {  	s25 =	simm.s32 @p0 $0x0;
	s29 =	spop (v2sf);
	s28 =	sxor.u32 $0x80000000, s28  }
0x8c: {  	s26 =	simm.s32 @!p1 $0x0;
	s30 =	spop (v2sf);
	s28 =	simm.s32 @!p1 $0x0  }
0x8d: {  	s0 =	sadd.s32 s0, s26;
	s31 =	spop (v2sf);
	s25 =	sadd.s32 s25, s28  }
0x8e: {  	s28 =	sxor.u32 $0x80000000, s29;
	s30 =	sxor.u32 $0x80000000, s30;
	s21 =	spop (v2sf)  }
0x8f: {  	s28 =	simm.s32 @!p6 $0x0;
	s30 =	simm.s32 @!p6 $0x0;
	s31 =	sxor.u32 $0x80000000, s31  }
0x90: {  	s0 =	sadd.s32 s28, s0;
	s30 =	sadd.s32 s30, s25;
	s26 =	spop (v2sf)  }
0x91: {  	s21 =	sxor.u32 $0x80000000, s21;
	s31 =	simm.s32 @!p5 $0x0;
	s26 =	sxor.u32 $0x80000000, s26  }
0x92: {  	s0 =	sadd.s32 s31, s0;
	s26 =	simm.s32 @!p4 $0x0;
	s29 =	spop (v2sf)  }
0x93: {  	s21 =	simm.s32 @!p5 $0x0;
	s0 =	sadd.s32 s26, s0;
	s28 =	spop (v2sf)  }
0x94: {  	s29 =	sxor.u32 $0x80000000, s29;
	s26 =	sxor.u32 $0x80000000, s28;
	s28 =	spop (v2sf)  }
0x95: {  	s21 =	sadd.s32 s21, s30;
	s29 =	simm.s32 @!p4 $0x0;
	s28 =	sxor.u32 $0x80000000, s28  }
0x96: {  	s25 =	simm.s32 $0x0;
	s21 =	sadd.s32 s29, s21;
	s28 =	simm.s32 @!p3 $0x0  }
0x97: {  	v4 =	vld [tilespmem:s25+$0x0];
	s21 =	sadd.s32 s28, s21;
	s28 =	sld [smem:$0x7FD]  }
0x98: {  	s26 =	simm.s32 @!p3 $0x0;
	s29 =	spop (v2sf)  }
0x99: {  	s0 =	sadd.s32 s26, s0;
	s26 =	spop (v2sf)  }
0x9a: {  	s26 =	sxor.u32 $0x80000000, s26;
	p2 =	seq.s32 s28, $0x1  }
0x9b: {  	s26 =	simm.s32 @!p2 $0x0  }
0x9c: {  	vm15 =	vge.f32 v4, $0.0e+00;
	s26 =	sadd.s32 s26, s21;
	s21 =	sld [smem:$0x7FC]  }
0x9d: {  	v4 =	vsel vm15, $0x1, v1;
	s29 =	sxor.u32 $0x80000000, s29  }
0x9e: {  	(xrf0) =	vadd.scan.msk.s32 $0xffff, v4;
	s29 =	simm.s32 @!p2 $0x0  }
0x9f: {  	s0 =	sadd.s32 s29, s0;
	p2 =	seq.s32 s21, $0x1  }
0xa0: {  	s26 =	smov.u32 @p2 s0  }
0xa1: {  	s0 =	sadd.s32 $0x0, s26  }
0xa2: {  	v4 =	vmov s0  }
0xa3: {  	v4 =	vadd.s32 $0xFFFFFFFF, v4  }
0xa4: {  	v5, _, _ =	vpop (xrf0);
	v4 =	vbroadcast v4, $0x0  }
0xa5: {  	(v2sf) =	vpush v5, $0xF  }
0xa6: {  	s21 =	sand.u32 $0xF0, s25;
	v4 =	vadd.s32 v5, v4  }
0xa7: {  	s0 =	sor.u32 $0x400, s21;
	vm1 =	vlt.s32 v4, $0x400  }
0xa8: {  	v6 =	vor.u32 s0, v2;
	vm0 =	vmand vm15, vm1  }
0xa9: {  	v4 =	vsel vm0, v4, v6  }
0xaa: {  	s28 =	simm.s32 $0x400;
	s21 =	sadd.s32 $0x0, s5;
	v4 =	vadd.s32 v0, v4  }
0xab: {  	s29 =	simm.s32 $0x800;
	[tilespmem:s28+$0x0] =	vst v4;
	v4 =	vor.u32 s21, v2  }
0xac: {  	s30 =	simm.s32 $0x10;
	[tilespmem:s29+$0x0] =	vst v4  }
0xad: {  	s31 =	simm.s32 $0x20;
	s0 =	simm.s32 $0x10;
	v4 =	vld [tilespmem:s30+$0x0]  }
.LBB2_8:
0xae: {  	p2 =	sne.s32 s31, $0x3F0;
	_ =	sdelay $0x3  }
0xaf: {  	vm0 =	vge.f32 v4, $0.0e+00  }
0xb0: {  	v4 =	vsel vm0, $0x1, v1  }
0xb1: {  	(xrf0) =	vadd.scan.msk.s32 $0xffff, v4;
	s21 =	spop (v2sf)  }
0xb2: {  	s25 =	sadd.s32 s25, s21  }
0xb3: {  	s21 =	sadd.s32 s26, s25  }
0xb4: {  	v4 =	vmov s21  }
0xb5: {  	v4 =	vadd.s32 $0xFFFFFFFF, v4  }
0xb6: {  	v4 =	vbroadcast v4, $0x0  }
0xb7: {  	v5, _, _ =	vpop (xrf0)  }
0xb8: {  	s21 =	sand.u32 $0xF0, s30;
	v4 =	vadd.s32 v5, v4;
	(v2sf) =	vpush v5, $0xF  }
0xb9: {  	s21 =	sor.u32 $0x400, s21;
	vm1 =	vlt.s32 v4, $0x400  }
0xba: {  	v5 =	vor.u32 s21, v2;
	vm0 =	vmand vm0, vm1  }
0xbb: {  	v4 =	vsel vm0, v4, v5  }
.Ltmp5:
0xbc: {  	s28 =	sadd.s32 $0x10, s28;
	s21 =	sadd.s32 s30, s5;
	v4 =	vadd.s32 v0, v4;
	(pc) =	sbr.rel @p2 .LBB2_8-.Ltmp5, $4  }
0xbd: {  	s29 =	sadd.s32 $0x10, s29;
	s30 =	smov.u32 s31;
	[tilespmem:s28+$0x0] =	vst v4;
	v4 =	vor.u32 s21, v2  }
0xbe: {  	[tilespmem:s29+$0x0] =	vst v4  }
0xbf: {  	s0 =	sadd.s32 $0x10, s0  }
0xc0: {  	s31 =	sadd.s32 $0x10, s31;
	v4 =	vld [tilespmem:s0+$0x0]  }
0xc1: {  	_ =	sdelay $0x3  }
0xc2: {  	vm0 =	vge.f32 v4, $0.0e+00  }
0xc3: {  	v4 =	vsel vm0, $0x1, v1  }
0xc4: {  	(xrf0) =	vadd.scan.msk.s32 $0xffff, v4;
	_ =	sdelay $0x5  }
0xc5: {  	v4, _, _ =	vpop (xrf0)  }
0xc6: {  	s0 =	spop (v2sf);
	(v2sf) =	vpush v4, $0xF  }
0xc7: {  	s0 =	sadd.s32 s25, s0  }
0xc8: {  	s0 =	sadd.s32 s26, s0  }
0xc9: {  	v5 =	vmov s0  }
0xca: {  	v5 =	vadd.s32 $0xFFFFFFFF, v5  }
0xcb: {  	v5 =	vbroadcast v5, $0x0;
	_ =	sdelay $0x1  }
0xcc: {  	s25 =	sand.u32 $0xF0, s30;
	v4 =	vadd.s32 v4, v5  }
0xcd: {  	s0 =	sor.u32 $0x400, s25;
	vm1 =	vlt.s32 v4, $0x400  }
0xce: {  	v5 =	vor.u32 s0, v2;
	vm0 =	vmand vm0, vm1  }
0xcf: {  	v4 =	vsel vm0, v4, v5  }
0xd0: {  	s21 =	sadd.s32 $0x10, s28;
	s26 =	sadd.s32 s30, s5;
	v4 =	vadd.s32 v0, v4  }
0xd1: {  	s30 =	sadd.s32 $0x10, s29;
	[tilespmem:s21+$0x0] =	vst v4;
	v4 =	vor.u32 s26, v2  }
0xd2: {  	[tilespmem:s30+$0x0] =	vst v4  }
0xd3: {  	[spmem:s1] =	stream.indirect.scatter [tilespmem:s20], [sflag:$0x1], $0x1, s19, s19, $0xb8;
	[tilespmem:$0x1690] =	vst v63  }
0xd4: {  	s31 =	spop (v2sf)  }
0xd5: {  	_ =	swait.ge [sflag:s15], $0x400  }
0xd6: {  	[sflag:s15] =	ssyncset.done $0x0  }
0xd7: {  	[sflag:s15] =	ssyncadd.s32 $0xFFFFFC00  }
0xd8: {  	[bflag:$0x0] =	sbarrier.arrive $0xFFFF  }
0xd9: {  	s0 =	sld [smem:$0x7FB];
	_ =	sdelay $0x2  }
0xda: {  	p2 =	seq.s32 s0, $0x1  }
.Ltmp6:
0xdb: {  	_ = 	snop;
	(pc) =	sbr.rel @p2 .LBB2_13-.Ltmp6, $1  }
0xdc: {  	_ =	sdelay $0x3  }
0xdd: {  	s0 =	sshll.u32 s2, $0x6  }
0xde: {  	s21 =	sshrl.u32 s7, $0x3;
	s25 =	simm.s32 $0x40;
	s0 =	sor.u32 $0x1C01, s0  }
0xdf: {  	[hbm:s10@s25], [sflag:s0] =	dma.strided [spmem:s21@s22], $0x80, s15, $0x10   }
0xe0: {  	_ =	swait.ge [sflag:s15], $0x80  }
0xe1: {  	[sflag:s15] =	ssyncset.done $0x0  }
0xe2: {  	s0 =	simm.s32 $0x40;
	s25 =	simm.s32 $0x0;
	[sflag:s15] =	ssyncadd.s32 $0xFFFFFF80  }
.LBB2_11:
0xe3: {  	p2 =	sne.s32 s0, $0xFC0;
	[tilespmem:s25+$0x1000] =	vst v3;
	s21 =	smov.u32 s0;
	s0 =	sadd.s32 $0x40, s0  }
.Ltmp7:
0xe4: {  	(pc) =	sbr.rel @p2 .LBB2_11-.Ltmp7, $2  }
0xe5: {  	_ =	sdelay $0x2  }
0xe6: {  	s25 =	sshra.s32 s21, $0x2  }
.Ltmp8:
0xe7: {  	_ = 	snop;
	(pc) =	sbr.rel .LBB2_12-.Ltmp8, $1  }
0xe8: {  	_ =	sdelay $0x3  }
.LBB2_14:
0xe9: {  	_ =	sfence.sel $0x180000  }
0xea: {  	[bflag:$0x0] =	sbarrier.arrive $0xFFFF  }
0xeb: {  	_ =	strace $0x90000047  }
0xec: {  	[bflag:$0x2] =	sbarrier.arrive $0xFFFF  }
0xed: {  	p0 =	sne.s32 s2, $0x0;
	s0 =	rddreg [dreg:$0x5]  }
0xee: {  	s0 =	sadd.s32 @!p0 $0x100000, s0  }
0xef: {  	[sflag:s0] =	ssyncadd.tile.s32 @!p0 $0x1;
	_ =	shalt  }
.Lfunc_end2:
_tile_overlayer_lowered:
.L_overlay_start_2:
0xf0: {  	(tag) =	ssettag $0x2  }
0xf1: {  	s0 =	rddreg [dreg:$0x0];
	s2 =	stileid.u32  }
0xf2: {  	s1 =	rddreg [dreg:$0x1];
	p0 =	sne.s32 s2, $0x0  }
0xf3: {  	s3 =	rddreg [dreg:$0x2];
	[bflag:$0x3] =	sbarrier.arrive $0xFFFF;
	s2 =	simm.s32 @!p0 $0x1C01  }
0xf4: {  	[timem:s3], [sflag:s2] =	dma.local @!p0 [hbm:s0], s1  }
0xf5: {  	s0 =	simm.s32 @!p0 $0x1  }
0xf6: {  	_ =	swait.ge @!p0 [sflag:s0], s1  }
0xf7: {  	s1 =	ssub.s32 @!p0 $0x0, s1;
	[sflag:s0] =	ssyncset.done @!p0 $0x0  }
0xf8: {  	[sflag:s0] =	ssyncadd.s32 @!p0 s1  }
0xf9: {  	[bflag:$0x3] =	sbarrier.arrive $0xFFFF  }
0xfa: {  	_ =	shalt  }

</sc_bundles>
